<compile_context>
chip_gen: v7x
topology: tpu7x:2x2x1
jax: 0.10.2.dev20260603
libtpu: 0.0.44.dev20260713+nightly
codegen_flags: <defaults>
</compile_context>

<pallas_src>
import functools
import math

import jax
import jax.numpy as jnp
from jax import lax
from jax.experimental import pallas as pl
from jax.experimental.pallas import tpu as pltpu
from jax.experimental.pallas import tpu_sc as plsc


@functools.lru_cache(maxsize=None)
def _build(B, L, D, V, maxlen):
    info = plsc.get_sparse_core_info()
    NC, NS, LANES = info.num_cores, info.num_subcores, info.num_lanes
    NW = NC * NS
    assert B % NW == 0 and V % (2 * NW) == 0 and D % LANES == 0
    scale = math.sqrt(D)
    NJ = D // LANES

    mesh = plsc.VectorSubcoreMesh(core_axis_name="c", subcore_axis_name="s")

    seqs_w = B // NW
    G = 4
    n_chunks_b = seqs_w // G
    ROWS = G * L

    @functools.partial(
        pl.kernel,
        out_type=jax.ShapeDtypeStruct((B * L, 2 * D), jnp.float32),
        mesh=mesh,
        compiler_params=pltpu.CompilerParams(use_tc_tiling_on_sc=False),
        scratch_types=[
            pltpu.VMEM((ROWS,), jnp.int32),
            pltpu.VMEM((ROWS,), jnp.int32),
            pltpu.VMEM((ROWS, D), jnp.float32),
            pltpu.VMEM((ROWS, D), jnp.float32),
            pltpu.VMEM((L, D), jnp.float32),
            pltpu.SemaphoreType.DMA,
            pltpu.SemaphoreType.DMA,
            pltpu.SemaphoreType.DMA,
            pltpu.SemaphoreType.DMA,
        ],
    )
    def gather(
        x_hbm, tok_hbm, pos_hbm, out_hbm,
        idx0, idx1, rows0, rows1, pos_v, gs0, gs1, os0, os1,
    ):
        wid = lax.axis_index("s") * NC + lax.axis_index("c")
        idxs = (idx0, idx1)
        rows = (rows0, rows1)
        gsems = (gs0, gs1)
        osems = (os0, os1)
        pltpu.sync_copy(pos_hbm.at[pl.ds(0, L)], pos_v)

        def fetch(c, sl):
            base = (wid * n_chunks_b + c) * ROWS
            base = pl.multiple_of(base, 8)
            pltpu.sync_copy(x_hbm.at[pl.ds(base, ROWS)], idxs[sl])
            pltpu.async_copy(tok_hbm.at[idxs[sl]], rows[sl], gsems[sl])

        fetch(0, 0)

        def chunk_body(c, carry):
            base = (wid * n_chunks_b + c) * ROWS
            base = pl.multiple_of(base, 8)

            for sl in range(2):

                @pl.when((c % 2) == sl)
                def _():
                    rows_v = rows[sl]
                    @pl.when(c + 1 < n_chunks_b)
                    def _():
                        @pl.when(c >= 1)
                        def _():
                            prev = (wid * n_chunks_b + c - 1) * ROWS
                            prev = pl.multiple_of(prev, 8)
                            pltpu.make_async_copy(
                                rows[1 - sl],
                                out_hbm.at[pl.ds(prev, ROWS), pl.ds(0, D)],
                                osems[1 - sl],
                            ).wait()

                        fetch(c + 1, 1 - sl)

                    pltpu.make_async_copy(
                        tok_hbm.at[idxs[sl]], rows_v, gsems[sl]
                    ).wait()

                    def l_body(l, lc):
                        p = [
                            pos_v[l, pl.ds(LANES * j, LANES)]
                            for j in range(NJ)
                        ]
                        for g in range(G):
                            r = g * L + l
                            for j in range(NJ):
                                rows_v[r, pl.ds(LANES * j, LANES)] = (
                                    rows_v[r, pl.ds(LANES * j, LANES)] + p[j]
                                ) * scale
                        return lc

                    lax.fori_loop(0, L, l_body, 0)
                    pltpu.async_copy(
                        rows_v,
                        out_hbm.at[pl.ds(base, ROWS), pl.ds(0, D)],
                        osems[sl],
                    )

            return carry

        lax.fori_loop(0, n_chunks_b, chunk_body, 0)
        for sl in range(2):
            c_last = n_chunks_b - 2 + sl
            base = (wid * n_chunks_b + c_last) * ROWS
            base = pl.multiple_of(base, 8)
            pltpu.make_async_copy(
                rows[c_last % 2],
                out_hbm.at[pl.ds(base, ROWS), pl.ds(0, D)],
                osems[c_last % 2],
            ).wait()

    def run(x, token_table, pos_table):
        x_flat = x.reshape(B * L).astype(jnp.int32)
        gathered = gather(x_flat, token_table, pos_table)
        return gathered.reshape(B, L, 2 * D)[:, :, :D]

    return run


def kernel(x, token_table, pos_table):
    B, L = x.shape
    V, D = token_table.shape
    run = _build(B, L, D, V, pos_table.shape[0])
    return run(x, token_table, pos_table)

# --- scband reference (transcript-rebuilt; emitter-appended) ---
"""Pipeline reference for scband-embeddings-19739669692757 (READ-ONLY COPY).

The authoritative reference and input builder live on the scoring server;
editing this copy changes nothing except your own understanding.
"""

import jax, jax.numpy as jnp
import numpy as np
import math

D_MODEL = 64
VOCAB = 1000000
MAXLEN = 256
B = 4096
L = 200


def setup_inputs(seed: int = 0) -> dict:
    key = jax.random.key(seed)
    k1, k2, k3 = jax.random.split(key, 3)
    x = jax.random.randint(k1, (B, L), 0, VOCAB)
    token_table = jax.random.normal(k2, (VOCAB, D_MODEL), dtype=jnp.float32)
    pos_table = jax.random.normal(k3, (MAXLEN, D_MODEL), dtype=jnp.float32)
    return {"x": x, "token_table": token_table, "pos_table": pos_table}


def reference(x, token_table, pos_table):
    # positions = pos_embedding(arange(maxlen))[:x.size(1), :]
    positions = pos_table[: x.shape[1], :]
    # tokens = token_embedding(x)  -> gather rows
    tokens = jnp.take(token_table, x, axis=0)
    return (positions + tokens) * math.sqrt(D_MODEL)

if __name__ == "__main__":
    import jax
    _d = setup_inputs()
    print(jax.jit(kernel)(*tuple(_d.values())))

</pallas_src>

<mosaic_0001>
#map = affine_map<(d0, d1) -> (0)>
#map1 = affine_map<(d0, d1) -> (0, 0)>
module attributes {stable_mosaic.version = 14 : i64} {
  func.func @gather(%arg0: i32, %arg1: i32, %arg2: memref<819200xi32, #tpu.memory_space<hbm>>, %arg3: memref<1000000x64xf32, #tpu.memory_space<hbm>>, %arg4: memref<256x64xf32, #tpu.memory_space<hbm>>, %arg5: memref<819200x128xf32, #tpu.memory_space<hbm>>, %arg6: memref<800xi32, #tpu.memory_space<vmem>>, %arg7: memref<800xi32, #tpu.memory_space<vmem>>, %arg8: memref<800x64xf32, #tpu.memory_space<vmem>>, %arg9: memref<800x64xf32, #tpu.memory_space<vmem>>, %arg10: memref<200x64xf32, #tpu.memory_space<vmem>>, %arg11: memref<!tpu.dma_semaphore, #tpu.memory_space<semaphore_mem>>, %arg12: memref<!tpu.dma_semaphore, #tpu.memory_space<semaphore_mem>>, %arg13: memref<!tpu.dma_semaphore, #tpu.memory_space<semaphore_mem>>, %arg14: memref<!tpu.dma_semaphore, #tpu.memory_space<semaphore_mem>>) attributes {dimension_semantics = [#tpu.dimension_semantics<core_parallel>, #tpu.dimension_semantics<subcore_parallel>], iteration_bounds = array<i64: 2, 16>, scalar_prefetch = 0 : i64, scratch_operands = 9 : i64, tpu.core_type = #tpu.core_type<sc_vector_subcore>, window_params = [{transform_indices = #map}, {transform_indices = #map1}, {transform_indices = #map1}, {transform_indices = #map1}]} {
    %mul3A = arith.constant 2 : i32
    %mul3A_0 = arith.muli %arg1, %mul3A : i32
    %add3A = arith.addi %mul3A_0, %arg0 : i32
    "tpu.region"() ({
      %run_scoped3A = tpu.sem_alloc : memref<!tpu.dma_semaphore, #tpu.memory_space<semaphore_mem>>
      %dma_start3A_35 = arith.constant 0 : i32
      %dma_start3A_36 = arith.constant 0 : i32
      %dma_start3A_37 = tpu.memref_slice %arg4[%dma_start3A_35, %dma_start3A_36] : memref<256x64xf32, #tpu.memory_space<hbm>> -> memref<200x64xf32, #tpu.memory_space<hbm>>
      %dma_start3A_38 = arith.constant 0 : i32
      %dma_start3A_39 = arith.constant 0 : i32
      %dma_start3A_40 = tpu.memref_slice %arg4[%dma_start3A_38, %dma_start3A_39] : memref<256x64xf32, #tpu.memory_space<hbm>> -> memref<200x64xf32, #tpu.memory_space<hbm>>
      tpu.enqueue_dma source(%dma_start3A_40 : memref<200x64xf32, #tpu.memory_space<hbm>>) target(%arg10 : memref<200x64xf32, #tpu.memory_space<vmem>>) target_semaphore(%run_scoped3A : memref<!tpu.dma_semaphore, #tpu.memory_space<semaphore_mem>>)
      %dma_wait3A_41 = arith.constant 0 : i32
      %dma_wait3A_42 = arith.constant 0 : i32
      %dma_wait3A_43 = tpu.memref_slice %arg4[%dma_wait3A_41, %dma_wait3A_42] : memref<256x64xf32, #tpu.memory_space<hbm>> -> memref<200x64xf32, #tpu.memory_space<hbm>>
      %dma_wait3A_44 = arith.constant 0 : i32
      %dma_wait3A_45 = arith.constant 0 : i32
      %dma_wait3A_46 = tpu.memref_slice %arg4[%dma_wait3A_44, %dma_wait3A_45] : memref<256x64xf32, #tpu.memory_space<hbm>> -> memref<200x64xf32, #tpu.memory_space<hbm>>
      tpu.wait_dma2 semaphore(%run_scoped3A : memref<!tpu.dma_semaphore, #tpu.memory_space<semaphore_mem>>) src(%dma_wait3A_46 : memref<200x64xf32, #tpu.memory_space<hbm>>) dst(%arg10 : memref<200x64xf32, #tpu.memory_space<vmem>>)
      tpu.yield
    }) : () -> ()
    %mul3A_1 = arith.constant 32 : i32
    %mul3A_2 = arith.muli %add3A, %mul3A_1 : i32
    %add3A_3 = arith.constant 0 : i32
    %add3A_4 = arith.addi %mul3A_2, %add3A_3 : i32
    %mul3A_5 = arith.constant 800 : i32
    %mul3A_6 = arith.muli %add3A_4, %mul3A_5 : i32
    %multiple_of3A = tpu.assume_multiple %mul3A_6, 8 : i32
    "tpu.region"() ({
      %run_scoped3A = tpu.sem_alloc : memref<!tpu.dma_semaphore, #tpu.memory_space<semaphore_mem>>
      %dma_start3A_35 = tpu.memref_slice %arg2[%multiple_of3A] : memref<819200xi32, #tpu.memory_space<hbm>> -> memref<800xi32, #tpu.memory_space<hbm>>
      %dma_start3A_36 = tpu.memref_slice %arg2[%multiple_of3A] : memref<819200xi32, #tpu.memory_space<hbm>> -> memref<800xi32, #tpu.memory_space<hbm>>
      tpu.enqueue_dma source(%dma_start3A_36 : memref<800xi32, #tpu.memory_space<hbm>>) target(%arg6 : memref<800xi32, #tpu.memory_space<vmem>>) target_semaphore(%run_scoped3A : memref<!tpu.dma_semaphore, #tpu.memory_space<semaphore_mem>>)
      %dma_wait3A_37 = tpu.memref_slice %arg2[%multiple_of3A] : memref<819200xi32, #tpu.memory_space<hbm>> -> memref<800xi32, #tpu.memory_space<hbm>>
      %dma_wait3A_38 = tpu.memref_slice %arg2[%multiple_of3A] : memref<819200xi32, #tpu.memory_space<hbm>> -> memref<800xi32, #tpu.memory_space<hbm>>
      tpu.wait_dma2 semaphore(%run_scoped3A : memref<!tpu.dma_semaphore, #tpu.memory_space<semaphore_mem>>) src(%dma_wait3A_38 : memref<800xi32, #tpu.memory_space<hbm>>) dst(%arg6 : memref<800xi32, #tpu.memory_space<vmem>>)
      tpu.yield
    }) : () -> ()
    %dma_start3A = arith.constant 0 : i32
    %dma_start3A_7 = arith.constant 0 : i32
    %dma_start3A_8 = tpu.memref_slice %arg3[%dma_start3A, %dma_start3A_7] : memref<1000000x64xf32, #tpu.memory_space<hbm>> -> memref<1000000x64xf32, #tpu.memory_space<hbm>>
    tpu.enqueue_indirect_dma source(%dma_start3A_8 : memref<1000000x64xf32, #tpu.memory_space<hbm>>) target(%arg8 : memref<800x64xf32, #tpu.memory_space<vmem>>) offsets(%arg6 : memref<800xi32, #tpu.memory_space<vmem>>) semaphore(%arg11 : memref<!tpu.dma_semaphore, #tpu.memory_space<semaphore_mem>>)
    %scan3A = arith.constant 0 : i32
    %scan3A_9 = arith.constant 0 : i32
    %scan3A_10 = arith.constant 32 : i32
    %scan3A_11 = arith.addi %scan3A_9, %scan3A_10 : i32
    %scan3A_12 = arith.constant 1 : i32
    scf.for %scan3A_35 = %scan3A_9 to %scan3A_11 step %scan3A_12  : i32 {
      %mul3A_36 = arith.constant 32 : i32
      %mul3A_37 = arith.muli %add3A, %mul3A_36 : i32
      %add3A_38 = arith.addi %mul3A_37, %scan3A_35 : i32
      %mul3A_39 = arith.constant 800 : i32
      %mul3A_40 = arith.muli %add3A_38, %mul3A_39 : i32
      %multiple_of3A_41 = tpu.assume_multiple %mul3A_40, 8 : i32
      %jit3A = arith.constant 2 : i32
      %eq3A = arith.constant 0 : i32
      %eq3A_42 = arith.cmpi eq, %jit3A, %eq3A : i32
      %jit3A_43 = arith.constant 1 : i32
      %select_n3A = arith.select %eq3A_42, %jit3A_43, %jit3A : i32
      %rem3A = arith.remsi %scan3A_35, %select_n3A : i32
      %ne3A = arith.constant 0 : i32
      %ne3A_44 = arith.cmpi ne, %rem3A, %ne3A : i32
      %lt3A = arith.constant 0 : i32
      %lt3A_45 = arith.cmpi slt, %rem3A, %lt3A : i32
      %lt3A_46 = arith.constant 0 : i32
      %lt3A_47 = arith.cmpi slt, %select_n3A, %lt3A_46 : i32
      %ne3A_48 = arith.xori %lt3A_45, %lt3A_47 : i1
      %and3A = arith.andi %ne3A_48, %ne3A_44 : i1
      %add3A_49 = arith.addi %rem3A, %select_n3A : i32
      %select_n3A_50 = arith.select %and3A, %add3A_49, %rem3A : i32
      %eq3A_51 = arith.constant 0 : i32
      %eq3A_52 = arith.cmpi eq, %select_n3A_50, %eq3A_51 : i32
      %convert_element_type3A = arith.extui %eq3A_52 : i1 to i32
      %cond3A = arith.constant 0 : i32
      %cond3A_53 = arith.cmpi ne, %convert_element_type3A, %cond3A : i32
      scf.if %cond3A_53 {
        %add3A_75 = arith.constant 1 : i32
        %add3A_76 = arith.addi %scan3A_35, %add3A_75 : i32
        %lt3A_77 = arith.constant 32 : i32
        %lt3A_78 = arith.cmpi slt, %add3A_76, %lt3A_77 : i32
        %convert_element_type3A_79 = arith.extui %lt3A_78 : i1 to i32
        %cond3A_80 = arith.constant 0 : i32
        %cond3A_81 = arith.cmpi ne, %convert_element_type3A_79, %cond3A_80 : i32
        scf.if %cond3A_81 {
          %ge3A = arith.constant 1 : i32
          %ge3A_95 = arith.cmpi sge, %scan3A_35, %ge3A : i32
          %convert_element_type3A_96 = arith.extui %ge3A_95 : i1 to i32
          %cond3A_97 = arith.constant 0 : i32
          %cond3A_98 = arith.cmpi ne, %convert_element_type3A_96, %cond3A_97 : i32
          scf.if %cond3A_98 {
            %mul3A_110 = arith.constant 32 : i32
            %mul3A_111 = arith.muli %add3A, %mul3A_110 : i32
            %add3A_112 = arith.addi %mul3A_111, %scan3A_35 : i32
            %sub3A = arith.constant 1 : i32
            %sub3A_113 = arith.subi %add3A_112, %sub3A : i32
            %mul3A_114 = arith.constant 800 : i32
            %mul3A_115 = arith.muli %sub3A_113, %mul3A_114 : i32
            %multiple_of3A_116 = tpu.assume_multiple %mul3A_115, 8 : i32
            %dma_wait3A_117 = arith.constant 0 : i32
            %dma_wait3A_118 = tpu.memref_slice %arg5[%multiple_of3A_116, %dma_wait3A_117] : memref<819200x128xf32, #tpu.memory_space<hbm>> -> memref<800x64xf32, #tpu.memory_space<hbm>>
            %dma_wait3A_119 = arith.constant 0 : i32
            %dma_wait3A_120 = tpu.memref_slice %arg5[%multiple_of3A_116, %dma_wait3A_119] : memref<819200x128xf32, #tpu.memory_space<hbm>> -> memref<800x64xf32, #tpu.memory_space<hbm>>
            tpu.wait_dma2 semaphore(%arg14 : memref<!tpu.dma_semaphore, #tpu.memory_space<semaphore_mem>>) src(%arg9 : memref<800x64xf32, #tpu.memory_space<vmem>>) dst(%dma_wait3A_120 : memref<800x64xf32, #tpu.memory_space<hbm>>)
          } else {
          }
          %add3A_99 = arith.constant 1 : i32
          %add3A_100 = arith.addi %scan3A_35, %add3A_99 : i32
          %mul3A_101 = arith.constant 32 : i32
          %mul3A_102 = arith.muli %add3A, %mul3A_101 : i32
          %add3A_103 = arith.addi %mul3A_102, %add3A_100 : i32
          %mul3A_104 = arith.constant 800 : i32
          %mul3A_105 = arith.muli %add3A_103, %mul3A_104 : i32
          %multiple_of3A_106 = tpu.assume_multiple %mul3A_105, 8 : i32
          "tpu.region"() ({
            %run_scoped3A = tpu.sem_alloc : memref<!tpu.dma_semaphore, #tpu.memory_space<semaphore_mem>>
            %dma_start3A_110 = tpu.memref_slice %arg2[%multiple_of3A_106] : memref<819200xi32, #tpu.memory_space<hbm>> -> memref<800xi32, #tpu.memory_space<hbm>>
            %dma_start3A_111 = tpu.memref_slice %arg2[%multiple_of3A_106] : memref<819200xi32, #tpu.memory_space<hbm>> -> memref<800xi32, #tpu.memory_space<hbm>>
            tpu.enqueue_dma source(%dma_start3A_111 : memref<800xi32, #tpu.memory_space<hbm>>) target(%arg7 : memref<800xi32, #tpu.memory_space<vmem>>) target_semaphore(%run_scoped3A : memref<!tpu.dma_semaphore, #tpu.memory_space<semaphore_mem>>)
            %dma_wait3A_112 = tpu.memref_slice %arg2[%multiple_of3A_106] : memref<819200xi32, #tpu.memory_space<hbm>> -> memref<800xi32, #tpu.memory_space<hbm>>
            %dma_wait3A_113 = tpu.memref_slice %arg2[%multiple_of3A_106] : memref<819200xi32, #tpu.memory_space<hbm>> -> memref<800xi32, #tpu.memory_space<hbm>>
            tpu.wait_dma2 semaphore(%run_scoped3A : memref<!tpu.dma_semaphore, #tpu.memory_space<semaphore_mem>>) src(%dma_wait3A_113 : memref<800xi32, #tpu.memory_space<hbm>>) dst(%arg7 : memref<800xi32, #tpu.memory_space<vmem>>)
            tpu.yield
          }) : () -> ()
          %dma_start3A_107 = arith.constant 0 : i32
          %dma_start3A_108 = arith.constant 0 : i32
          %dma_start3A_109 = tpu.memref_slice %arg3[%dma_start3A_107, %dma_start3A_108] : memref<1000000x64xf32, #tpu.memory_space<hbm>> -> memref<1000000x64xf32, #tpu.memory_space<hbm>>
          tpu.enqueue_indirect_dma source(%dma_start3A_109 : memref<1000000x64xf32, #tpu.memory_space<hbm>>) target(%arg9 : memref<800x64xf32, #tpu.memory_space<vmem>>) offsets(%arg7 : memref<800xi32, #tpu.memory_space<vmem>>) semaphore(%arg12 : memref<!tpu.dma_semaphore, #tpu.memory_space<semaphore_mem>>)
        } else {
        }
        %dma_wait3A_82 = arith.constant 0 : i32
        %dma_wait3A_83 = arith.constant 0 : i32
        %dma_wait3A_84 = tpu.memref_slice %arg3[%dma_wait3A_82, %dma_wait3A_83] : memref<1000000x64xf32, #tpu.memory_space<hbm>> -> memref<1000000x64xf32, #tpu.memory_space<hbm>>
        tpu.wait_indirect_dma semaphore(%arg11 : memref<!tpu.dma_semaphore, #tpu.memory_space<semaphore_mem>>) src(%dma_wait3A_84 : memref<1000000x64xf32, #tpu.memory_space<hbm>>) dst(%arg8 : memref<800x64xf32, #tpu.memory_space<vmem>>)
        %scan3A_85 = arith.constant 0 : i32
        %scan3A_86 = arith.constant 0 : i32
        %scan3A_87 = arith.constant 200 : i32
        %scan3A_88 = arith.addi %scan3A_86, %scan3A_87 : i32
        %scan3A_89 = arith.constant 1 : i32
        scf.for %scan3A_95 = %scan3A_86 to %scan3A_88 step %scan3A_89  : i32 {
          %get3A = arith.index_cast %scan3A_95 : i32 to index
          %get3A_96 = arith.constant 0 : index
          %get3A_97 = tpu.vector_load %arg10[%get3A, %get3A_96] {strides = array<i32>} : memref<200x64xf32, #tpu.memory_space<vmem>>, vector<1x16xf32>,
          %get3A_98 = vector.shape_cast %get3A_97 : vector<1x16xf32> to vector<16xf32>
          %get3A_99 = arith.index_cast %scan3A_95 : i32 to index
          %get3A_100 = arith.constant 16 : index
          %get3A_101 = tpu.vector_load %arg10[%get3A_99, %get3A_100] {strides = array<i32>} : memref<200x64xf32, #tpu.memory_space<vmem>>, vector<1x16xf32>,
          %get3A_102 = vector.shape_cast %get3A_101 : vector<1x16xf32> to vector<16xf32>
          %get3A_103 = arith.index_cast %scan3A_95 : i32 to index
          %get3A_104 = arith.constant 32 : index
          %get3A_105 = tpu.vector_load %arg10[%get3A_103, %get3A_104] {strides = array<i32>} : memref<200x64xf32, #tpu.memory_space<vmem>>, vector<1x16xf32>,
          %get3A_106 = vector.shape_cast %get3A_105 : vector<1x16xf32> to vector<16xf32>
          %get3A_107 = arith.index_cast %scan3A_95 : i32 to index
          %get3A_108 = arith.constant 48 : index
          %get3A_109 = tpu.vector_load %arg10[%get3A_107, %get3A_108] {strides = array<i32>} : memref<200x64xf32, #tpu.memory_space<vmem>>, vector<1x16xf32>,
          %get3A_110 = vector.shape_cast %get3A_109 : vector<1x16xf32> to vector<16xf32>
          %add3A_111 = arith.constant 0 : i32
          %add3A_112 = arith.addi %add3A_111, %scan3A_95 : i32
          %get3A_113 = arith.index_cast %add3A_112 : i32 to index
          %get3A_114 = arith.constant 0 : index
          %get3A_115 = tpu.vector_load %arg8[%get3A_113, %get3A_114] {strides = array<i32>} : memref<800x64xf32, #tpu.memory_space<vmem>>, vector<1x16xf32>,
          %get3A_116 = vector.shape_cast %get3A_115 : vector<1x16xf32> to vector<16xf32>
          %add3A_117 = arith.addf %get3A_116, %get3A_98 : vector<16xf32>
          %mul3A_118 = arith.constant 8.000000e+00 : f32
          %mul3A_119 = vector.broadcast %mul3A_118 : f32 to vector<16xf32>
          %mul3A_120 = arith.mulf %add3A_117, %mul3A_119 : vector<16xf32>
          %swap3A = arith.index_cast %add3A_112 : i32 to index
          %swap3A_121 = arith.constant 0 : index
          %swap3A_122 = tpu.vector_load %arg8[%swap3A, %swap3A_121] {strides = array<i32>} : memref<800x64xf32, #tpu.memory_space<vmem>>, vector<1x16xf32>,
          %swap3A_123 = vector.shape_cast %swap3A_122 : vector<1x16xf32> to vector<16xf32>
          %swap3A_124 = vector.shape_cast %mul3A_120 : vector<16xf32> to vector<1x16xf32>
          tpu.vector_store %arg8[%swap3A, %swap3A_121], %swap3A_124 {strides = array<i32>} : memref<800x64xf32, #tpu.memory_space<vmem>>, vector<1x16xf32>,
          %get3A_125 = arith.index_cast %add3A_112 : i32 to index
          %get3A_126 = arith.constant 16 : index
          %get3A_127 = tpu.vector_load %arg8[%get3A_125, %get3A_126] {strides = array<i32>} : memref<800x64xf32, #tpu.memory_space<vmem>>, vector<1x16xf32>,
          %get3A_128 = vector.shape_cast %get3A_127 : vector<1x16xf32> to vector<16xf32>
          %add3A_129 = arith.addf %get3A_128, %get3A_102 : vector<16xf32>
          %mul3A_130 = arith.constant 8.000000e+00 : f32
          %mul3A_131 = vector.broadcast %mul3A_130 : f32 to vector<16xf32>
          %mul3A_132 = arith.mulf %add3A_129, %mul3A_131 : vector<16xf32>
          %swap3A_133 = arith.index_cast %add3A_112 : i32 to index
          %swap3A_134 = arith.constant 16 : index
          %swap3A_135 = tpu.vector_load %arg8[%swap3A_133, %swap3A_134] {strides = array<i32>} : memref<800x64xf32, #tpu.memory_space<vmem>>, vector<1x16xf32>,
          %swap3A_136 = vector.shape_cast %swap3A_135 : vector<1x16xf32> to vector<16xf32>
          %swap3A_137 = vector.shape_cast %mul3A_132 : vector<16xf32> to vector<1x16xf32>
          tpu.vector_store %arg8[%swap3A_133, %swap3A_134], %swap3A_137 {strides = array<i32>} : memref<800x64xf32, #tpu.memory_space<vmem>>, vector<1x16xf32>,
          %get3A_138 = arith.index_cast %add3A_112 : i32 to index
          %get3A_139 = arith.constant 32 : index
          %get3A_140 = tpu.vector_load %arg8[%get3A_138, %get3A_139] {strides = array<i32>} : memref<800x64xf32, #tpu.memory_space<vmem>>, vector<1x16xf32>,
          %get3A_141 = vector.shape_cast %get3A_140 : vector<1x16xf32> to vector<16xf32>
          %add3A_142 = arith.addf %get3A_141, %get3A_106 : vector<16xf32>
          %mul3A_143 = arith.constant 8.000000e+00 : f32
          %mul3A_144 = vector.broadcast %mul3A_143 : f32 to vector<16xf32>
          %mul3A_145 = arith.mulf %add3A_142, %mul3A_144 : vector<16xf32>
          %swap3A_146 = arith.index_cast %add3A_112 : i32 to index
          %swap3A_147 = arith.constant 32 : index
          %swap3A_148 = tpu.vector_load %arg8[%swap3A_146, %swap3A_147] {strides = array<i32>} : memref<800x64xf32, #tpu.memory_space<vmem>>, vector<1x16xf32>,
          %swap3A_149 = vector.shape_cast %swap3A_148 : vector<1x16xf32> to vector<16xf32>
          %swap3A_150 = vector.shape_cast %mul3A_145 : vector<16xf32> to vector<1x16xf32>
          tpu.vector_store %arg8[%swap3A_146, %swap3A_147], %swap3A_150 {strides = array<i32>} : memref<800x64xf32, #tpu.memory_space<vmem>>, vector<1x16xf32>,
          %get3A_151 = arith.index_cast %add3A_112 : i32 to index
          %get3A_152 = arith.constant 48 : index
          %get3A_153 = tpu.vector_load %arg8[%get3A_151, %get3A_152] {strides = array<i32>} : memref<800x64xf32, #tpu.memory_space<vmem>>, vector<1x16xf32>,
          %get3A_154 = vector.shape_cast %get3A_153 : vector<1x16xf32> to vector<16xf32>
          %add3A_155 = arith.addf %get3A_154, %get3A_110 : vector<16xf32>
          %mul3A_156 = arith.constant 8.000000e+00 : f32
          %mul3A_157 = vector.broadcast %mul3A_156 : f32 to vector<16xf32>
          %mul3A_158 = arith.mulf %add3A_155, %mul3A_157 : vector<16xf32>
          %swap3A_159 = arith.index_cast %add3A_112 : i32 to index
          %swap3A_160 = arith.constant 48 : index
          %swap3A_161 = tpu.vector_load %arg8[%swap3A_159, %swap3A_160] {strides = array<i32>} : memref<800x64xf32, #tpu.memory_space<vmem>>, vector<1x16xf32>,
          %swap3A_162 = vector.shape_cast %swap3A_161 : vector<1x16xf32> to vector<16xf32>
          %swap3A_163 = vector.shape_cast %mul3A_158 : vector<16xf32> to vector<1x16xf32>
          tpu.vector_store %arg8[%swap3A_159, %swap3A_160], %swap3A_163 {strides = array<i32>} : memref<800x64xf32, #tpu.memory_space<vmem>>, vector<1x16xf32>,
          %add3A_164 = arith.constant 200 : i32
          %add3A_165 = arith.addi %add3A_164, %scan3A_95 : i32
          %get3A_166 = arith.index_cast %add3A_165 : i32 to index
          %get3A_167 = arith.constant 0 : index
          %get3A_168 = tpu.vector_load %arg8[%get3A_166, %get3A_167] {strides = array<i32>} : memref<800x64xf32, #tpu.memory_space<vmem>>, vector<1x16xf32>,
          %get3A_169 = vector.shape_cast %get3A_168 : vector<1x16xf32> to vector<16xf32>
          %add3A_170 = arith.addf %get3A_169, %get3A_98 : vector<16xf32>
          %mul3A_171 = arith.constant 8.000000e+00 : f32
          %mul3A_172 = vector.broadcast %mul3A_171 : f32 to vector<16xf32>
          %mul3A_173 = arith.mulf %add3A_170, %mul3A_172 : vector<16xf32>
          %swap3A_174 = arith.index_cast %add3A_165 : i32 to index
          %swap3A_175 = arith.constant 0 : index
          %swap3A_176 = tpu.vector_load %arg8[%swap3A_174, %swap3A_175] {strides = array<i32>} : memref<800x64xf32, #tpu.memory_space<vmem>>, vector<1x16xf32>,
          %swap3A_177 = vector.shape_cast %swap3A_176 : vector<1x16xf32> to vector<16xf32>
          %swap3A_178 = vector.shape_cast %mul3A_173 : vector<16xf32> to vector<1x16xf32>
          tpu.vector_store %arg8[%swap3A_174, %swap3A_175], %swap3A_178 {strides = array<i32>} : memref<800x64xf32, #tpu.memory_space<vmem>>, vector<1x16xf32>,
          %get3A_179 = arith.index_cast %add3A_165 : i32 to index
          %get3A_180 = arith.constant 16 : index
          %get3A_181 = tpu.vector_load %arg8[%get3A_179, %get3A_180] {strides = array<i32>} : memref<800x64xf32, #tpu.memory_space<vmem>>, vector<1x16xf32>,
          %get3A_182 = vector.shape_cast %get3A_181 : vector<1x16xf32> to vector<16xf32>
          %add3A_183 = arith.addf %get3A_182, %get3A_102 : vector<16xf32>
          %mul3A_184 = arith.constant 8.000000e+00 : f32
          %mul3A_185 = vector.broadcast %mul3A_184 : f32 to vector<16xf32>
          %mul3A_186 = arith.mulf %add3A_183, %mul3A_185 : vector<16xf32>
          %swap3A_187 = arith.index_cast %add3A_165 : i32 to index
          %swap3A_188 = arith.constant 16 : index
          %swap3A_189 = tpu.vector_load %arg8[%swap3A_187, %swap3A_188] {strides = array<i32>} : memref<800x64xf32, #tpu.memory_space<vmem>>, vector<1x16xf32>,
          %swap3A_190 = vector.shape_cast %swap3A_189 : vector<1x16xf32> to vector<16xf32>
          %swap3A_191 = vector.shape_cast %mul3A_186 : vector<16xf32> to vector<1x16xf32>
          tpu.vector_store %arg8[%swap3A_187, %swap3A_188], %swap3A_191 {strides = array<i32>} : memref<800x64xf32, #tpu.memory_space<vmem>>, vector<1x16xf32>,
          %get3A_192 = arith.index_cast %add3A_165 : i32 to index
          %get3A_193 = arith.constant 32 : index
          %get3A_194 = tpu.vector_load %arg8[%get3A_192, %get3A_193] {strides = array<i32>} : memref<800x64xf32, #tpu.memory_space<vmem>>, vector<1x16xf32>,
          %get3A_195 = vector.shape_cast %get3A_194 : vector<1x16xf32> to vector<16xf32>
          %add3A_196 = arith.addf %get3A_195, %get3A_106 : vector<16xf32>
          %mul3A_197 = arith.constant 8.000000e+00 : f32
          %mul3A_198 = vector.broadcast %mul3A_197 : f32 to vector<16xf32>
          %mul3A_199 = arith.mulf %add3A_196, %mul3A_198 : vector<16xf32>
          %swap3A_200 = arith.index_cast %add3A_165 : i32 to index
          %swap3A_201 = arith.constant 32 : index
          %swap3A_202 = tpu.vector_load %arg8[%swap3A_200, %swap3A_201] {strides = array<i32>} : memref<800x64xf32, #tpu.memory_space<vmem>>, vector<1x16xf32>,
          %swap3A_203 = vector.shape_cast %swap3A_202 : vector<1x16xf32> to vector<16xf32>
          %swap3A_204 = vector.shape_cast %mul3A_199 : vector<16xf32> to vector<1x16xf32>
          tpu.vector_store %arg8[%swap3A_200, %swap3A_201], %swap3A_204 {strides = array<i32>} : memref<800x64xf32, #tpu.memory_space<vmem>>, vector<1x16xf32>,
          %get3A_205 = arith.index_cast %add3A_165 : i32 to index
          %get3A_206 = arith.constant 48 : index
          %get3A_207 = tpu.vector_load %arg8[%get3A_205, %get3A_206] {strides = array<i32>} : memref<800x64xf32, #tpu.memory_space<vmem>>, vector<1x16xf32>,
          %get3A_208 = vector.shape_cast %get3A_207 : vector<1x16xf32> to vector<16xf32>
          %add3A_209 = arith.addf %get3A_208, %get3A_110 : vector<16xf32>
          %mul3A_210 = arith.constant 8.000000e+00 : f32
          %mul3A_211 = vector.broadcast %mul3A_210 : f32 to vector<16xf32>
          %mul3A_212 = arith.mulf %add3A_209, %mul3A_211 : vector<16xf32>
          %swap3A_213 = arith.index_cast %add3A_165 : i32 to index
          %swap3A_214 = arith.constant 48 : index
          %swap3A_215 = tpu.vector_load %arg8[%swap3A_213, %swap3A_214] {strides = array<i32>} : memref<800x64xf32, #tpu.memory_space<vmem>>, vector<1x16xf32>,
          %swap3A_216 = vector.shape_cast %swap3A_215 : vector<1x16xf32> to vector<16xf32>
          %swap3A_217 = vector.shape_cast %mul3A_212 : vector<16xf32> to vector<1x16xf32>
          tpu.vector_store %arg8[%swap3A_213, %swap3A_214], %swap3A_217 {strides = array<i32>} : memref<800x64xf32, #tpu.memory_space<vmem>>, vector<1x16xf32>,
          %add3A_218 = arith.constant 400 : i32
          %add3A_219 = arith.addi %add3A_218, %scan3A_95 : i32
          %get3A_220 = arith.index_cast %add3A_219 : i32 to index
          %get3A_221 = arith.constant 0 : index
          %get3A_222 = tpu.vector_load %arg8[%get3A_220, %get3A_221] {strides = array<i32>} : memref<800x64xf32, #tpu.memory_space<vmem>>, vector<1x16xf32>,
          %get3A_223 = vector.shape_cast %get3A_222 : vector<1x16xf32> to vector<16xf32>
          %add3A_224 = arith.addf %get3A_223, %get3A_98 : vector<16xf32>
          %mul3A_225 = arith.constant 8.000000e+00 : f32
          %mul3A_226 = vector.broadcast %mul3A_225 : f32 to vector<16xf32>
          %mul3A_227 = arith.mulf %add3A_224, %mul3A_226 : vector<16xf32>
          %swap3A_228 = arith.index_cast %add3A_219 : i32 to index
          %swap3A_229 = arith.constant 0 : index
          %swap3A_230 = tpu.vector_load %arg8[%swap3A_228, %swap3A_229] {strides = array<i32>} : memref<800x64xf32, #tpu.memory_space<vmem>>, vector<1x16xf32>,
          %swap3A_231 = vector.shape_cast %swap3A_230 : vector<1x16xf32> to vector<16xf32>
          %swap3A_232 = vector.shape_cast %mul3A_227 : vector<16xf32> to vector<1x16xf32>
          tpu.vector_store %arg8[%swap3A_228, %swap3A_229], %swap3A_232 {strides = array<i32>} : memref<800x64xf32, #tpu.memory_space<vmem>>, vector<1x16xf32>,
          %get3A_233 = arith.index_cast %add3A_219 : i32 to index
          %get3A_234 = arith.constant 16 : index
          %get3A_235 = tpu.vector_load %arg8[%get3A_233, %get3A_234] {strides = array<i32>} : memref<800x64xf32, #tpu.memory_space<vmem>>, vector<1x16xf32>,
          %get3A_236 = vector.shape_cast %get3A_235 : vector<1x16xf32> to vector<16xf32>
          %add3A_237 = arith.addf %get3A_236, %get3A_102 : vector<16xf32>
          %mul3A_238 = arith.constant 8.000000e+00 : f32
          %mul3A_239 = vector.broadcast %mul3A_238 : f32 to vector<16xf32>
          %mul3A_240 = arith.mulf %add3A_237, %mul3A_239 : vector<16xf32>
          %swap3A_241 = arith.index_cast %add3A_219 : i32 to index
          %swap3A_242 = arith.constant 16 : index
          %swap3A_243 = tpu.vector_load %arg8[%swap3A_241, %swap3A_242] {strides = array<i32>} : memref<800x64xf32, #tpu.memory_space<vmem>>, vector<1x16xf32>,
          %swap3A_244 = vector.shape_cast %swap3A_243 : vector<1x16xf32> to vector<16xf32>
          %swap3A_245 = vector.shape_cast %mul3A_240 : vector<16xf32> to vector<1x16xf32>
          tpu.vector_store %arg8[%swap3A_241, %swap3A_242], %swap3A_245 {strides = array<i32>} : memref<800x64xf32, #tpu.memory_space<vmem>>, vector<1x16xf32>,
          %get3A_246 = arith.index_cast %add3A_219 : i32 to index
          %get3A_247 = arith.constant 32 : index
          %get3A_248 = tpu.vector_load %arg8[%get3A_246, %get3A_247] {strides = array<i32>} : memref<800x64xf32, #tpu.memory_space<vmem>>, vector<1x16xf32>,
          %get3A_249 = vector.shape_cast %get3A_248 : vector<1x16xf32> to vector<16xf32>
          %add3A_250 = arith.addf %get3A_249, %get3A_106 : vector<16xf32>
          %mul3A_251 = arith.constant 8.000000e+00 : f32
          %mul3A_252 = vector.broadcast %mul3A_251 : f32 to vector<16xf32>
          %mul3A_253 = arith.mulf %add3A_250, %mul3A_252 : vector<16xf32>
          %swap3A_254 = arith.index_cast %add3A_219 : i32 to index
          %swap3A_255 = arith.constant 32 : index
          %swap3A_256 = tpu.vector_load %arg8[%swap3A_254, %swap3A_255] {strides = array<i32>} : memref<800x64xf32, #tpu.memory_space<vmem>>, vector<1x16xf32>,
          %swap3A_257 = vector.shape_cast %swap3A_256 : vector<1x16xf32> to vector<16xf32>
          %swap3A_258 = vector.shape_cast %mul3A_253 : vector<16xf32> to vector<1x16xf32>
          tpu.vector_store %arg8[%swap3A_254, %swap3A_255], %swap3A_258 {strides = array<i32>} : memref<800x64xf32, #tpu.memory_space<vmem>>, vector<1x16xf32>,
          %get3A_259 = arith.index_cast %add3A_219 : i32 to index
          %get3A_260 = arith.constant 48 : index
          %get3A_261 = tpu.vector_load %arg8[%get3A_259, %get3A_260] {strides = array<i32>} : memref<800x64xf32, #tpu.memory_space<vmem>>, vector<1x16xf32>,
          %get3A_262 = vector.shape_cast %get3A_261 : vector<1x16xf32> to vector<16xf32>
          %add3A_263 = arith.addf %get3A_262, %get3A_110 : vector<16xf32>
          %mul3A_264 = arith.constant 8.000000e+00 : f32
          %mul3A_265 = vector.broadcast %mul3A_264 : f32 to vector<16xf32>
          %mul3A_266 = arith.mulf %add3A_263, %mul3A_265 : vector<16xf32>
          %swap3A_267 = arith.index_cast %add3A_219 : i32 to index
          %swap3A_268 = arith.constant 48 : index
          %swap3A_269 = tpu.vector_load %arg8[%swap3A_267, %swap3A_268] {strides = array<i32>} : memref<800x64xf32, #tpu.memory_space<vmem>>, vector<1x16xf32>,
          %swap3A_270 = vector.shape_cast %swap3A_269 : vector<1x16xf32> to vector<16xf32>
          %swap3A_271 = vector.shape_cast %mul3A_266 : vector<16xf32> to vector<1x16xf32>
          tpu.vector_store %arg8[%swap3A_267, %swap3A_268], %swap3A_271 {strides = array<i32>} : memref<800x64xf32, #tpu.memory_space<vmem>>, vector<1x16xf32>,
          %add3A_272 = arith.constant 600 : i32
          %add3A_273 = arith.addi %add3A_272, %scan3A_95 : i32
          %get3A_274 = arith.index_cast %add3A_273 : i32 to index
          %get3A_275 = arith.constant 0 : index
          %get3A_276 = tpu.vector_load %arg8[%get3A_274, %get3A_275] {strides = array<i32>} : memref<800x64xf32, #tpu.memory_space<vmem>>, vector<1x16xf32>,
          %get3A_277 = vector.shape_cast %get3A_276 : vector<1x16xf32> to vector<16xf32>
          %add3A_278 = arith.addf %get3A_277, %get3A_98 : vector<16xf32>
          %mul3A_279 = arith.constant 8.000000e+00 : f32
          %mul3A_280 = vector.broadcast %mul3A_279 : f32 to vector<16xf32>
          %mul3A_281 = arith.mulf %add3A_278, %mul3A_280 : vector<16xf32>
          %swap3A_282 = arith.index_cast %add3A_273 : i32 to index
          %swap3A_283 = arith.constant 0 : index
          %swap3A_284 = tpu.vector_load %arg8[%swap3A_282, %swap3A_283] {strides = array<i32>} : memref<800x64xf32, #tpu.memory_space<vmem>>, vector<1x16xf32>,
          %swap3A_285 = vector.shape_cast %swap3A_284 : vector<1x16xf32> to vector<16xf32>
          %swap3A_286 = vector.shape_cast %mul3A_281 : vector<16xf32> to vector<1x16xf32>
          tpu.vector_store %arg8[%swap3A_282, %swap3A_283], %swap3A_286 {strides = array<i32>} : memref<800x64xf32, #tpu.memory_space<vmem>>, vector<1x16xf32>,
          %get3A_287 = arith.index_cast %add3A_273 : i32 to index
          %get3A_288 = arith.constant 16 : index
          %get3A_289 = tpu.vector_load %arg8[%get3A_287, %get3A_288] {strides = array<i32>} : memref<800x64xf32, #tpu.memory_space<vmem>>, vector<1x16xf32>,
          %get3A_290 = vector.shape_cast %get3A_289 : vector<1x16xf32> to vector<16xf32>
          %add3A_291 = arith.addf %get3A_290, %get3A_102 : vector<16xf32>
          %mul3A_292 = arith.constant 8.000000e+00 : f32
          %mul3A_293 = vector.broadcast %mul3A_292 : f32 to vector<16xf32>
          %mul3A_294 = arith.mulf %add3A_291, %mul3A_293 : vector<16xf32>
          %swap3A_295 = arith.index_cast %add3A_273 : i32 to index
          %swap3A_296 = arith.constant 16 : index
          %swap3A_297 = tpu.vector_load %arg8[%swap3A_295, %swap3A_296] {strides = array<i32>} : memref<800x64xf32, #tpu.memory_space<vmem>>, vector<1x16xf32>,
          %swap3A_298 = vector.shape_cast %swap3A_297 : vector<1x16xf32> to vector<16xf32>
          %swap3A_299 = vector.shape_cast %mul3A_294 : vector<16xf32> to vector<1x16xf32>
          tpu.vector_store %arg8[%swap3A_295, %swap3A_296], %swap3A_299 {strides = array<i32>} : memref<800x64xf32, #tpu.memory_space<vmem>>, vector<1x16xf32>,
          %get3A_300 = arith.index_cast %add3A_273 : i32 to index
          %get3A_301 = arith.constant 32 : index
          %get3A_302 = tpu.vector_load %arg8[%get3A_300, %get3A_301] {strides = array<i32>} : memref<800x64xf32, #tpu.memory_space<vmem>>, vector<1x16xf32>,
          %get3A_303 = vector.shape_cast %get3A_302 : vector<1x16xf32> to vector<16xf32>
          %add3A_304 = arith.addf %get3A_303, %get3A_106 : vector<16xf32>
          %mul3A_305 = arith.constant 8.000000e+00 : f32
          %mul3A_306 = vector.broadcast %mul3A_305 : f32 to vector<16xf32>
          %mul3A_307 = arith.mulf %add3A_304, %mul3A_306 : vector<16xf32>
          %swap3A_308 = arith.index_cast %add3A_273 : i32 to index
          %swap3A_309 = arith.constant 32 : index
          %swap3A_310 = tpu.vector_load %arg8[%swap3A_308, %swap3A_309] {strides = array<i32>} : memref<800x64xf32, #tpu.memory_space<vmem>>, vector<1x16xf32>,
          %swap3A_311 = vector.shape_cast %swap3A_310 : vector<1x16xf32> to vector<16xf32>
          %swap3A_312 = vector.shape_cast %mul3A_307 : vector<16xf32> to vector<1x16xf32>
          tpu.vector_store %arg8[%swap3A_308, %swap3A_309], %swap3A_312 {strides = array<i32>} : memref<800x64xf32, #tpu.memory_space<vmem>>, vector<1x16xf32>,
          %get3A_313 = arith.index_cast %add3A_273 : i32 to index
          %get3A_314 = arith.constant 48 : index
          %get3A_315 = tpu.vector_load %arg8[%get3A_313, %get3A_314] {strides = array<i32>} : memref<800x64xf32, #tpu.memory_space<vmem>>, vector<1x16xf32>,
          %get3A_316 = vector.shape_cast %get3A_315 : vector<1x16xf32> to vector<16xf32>
          %add3A_317 = arith.addf %get3A_316, %get3A_110 : vector<16xf32>
          %mul3A_318 = arith.constant 8.000000e+00 : f32
          %mul3A_319 = vector.broadcast %mul3A_318 : f32 to vector<16xf32>
          %mul3A_320 = arith.mulf %add3A_317, %mul3A_319 : vector<16xf32>
          %swap3A_321 = arith.index_cast %add3A_273 : i32 to index
          %swap3A_322 = arith.constant 48 : index
          %swap3A_323 = tpu.vector_load %arg8[%swap3A_321, %swap3A_322] {strides = array<i32>} : memref<800x64xf32, #tpu.memory_space<vmem>>, vector<1x16xf32>,
          %swap3A_324 = vector.shape_cast %swap3A_323 : vector<1x16xf32> to vector<16xf32>
          %swap3A_325 = vector.shape_cast %mul3A_320 : vector<16xf32> to vector<1x16xf32>
          tpu.vector_store %arg8[%swap3A_321, %swap3A_322], %swap3A_325 {strides = array<i32>} : memref<800x64xf32, #tpu.memory_space<vmem>>, vector<1x16xf32>,
        }
        %scan3A_90 = arith.constant 200 : i32
        %dma_start3A_91 = arith.constant 0 : i32
        %dma_start3A_92 = tpu.memref_slice %arg5[%multiple_of3A_41, %dma_start3A_91] : memref<819200x128xf32, #tpu.memory_space<hbm>> -> memref<800x64xf32, #tpu.memory_space<hbm>>
        %dma_start3A_93 = arith.constant 0 : i32
        %dma_start3A_94 = tpu.memref_slice %arg5[%multiple_of3A_41, %dma_start3A_93] : memref<819200x128xf32, #tpu.memory_space<hbm>> -> memref<800x64xf32, #tpu.memory_space<hbm>>
        tpu.enqueue_dma source(%arg8 : memref<800x64xf32, #tpu.memory_space<vmem>>) target(%dma_start3A_94 : memref<800x64xf32, #tpu.memory_space<hbm>>) target_semaphore(%arg13 : memref<!tpu.dma_semaphore, #tpu.memory_space<semaphore_mem>>)
      } else {
      }
      %jit3A_54 = arith.constant 2 : i32
      %eq3A_55 = arith.constant 0 : i32
      %eq3A_56 = arith.cmpi eq, %jit3A_54, %eq3A_55 : i32
      %jit3A_57 = arith.constant 1 : i32
      %select_n3A_58 = arith.select %eq3A_56, %jit3A_57, %jit3A_54 : i32
      %rem3A_59 = arith.remsi %scan3A_35, %select_n3A_58 : i32
      %ne3A_60 = arith.constant 0 : i32
      %ne3A_61 = arith.cmpi ne, %rem3A_59, %ne3A_60 : i32
      %lt3A_62 = arith.constant 0 : i32
      %lt3A_63 = arith.cmpi slt, %rem3A_59, %lt3A_62 : i32
      %lt3A_64 = arith.constant 0 : i32
      %lt3A_65 = arith.cmpi slt, %select_n3A_58, %lt3A_64 : i32
      %ne3A_66 = arith.xori %lt3A_63, %lt3A_65 : i1
      %and3A_67 = arith.andi %ne3A_66, %ne3A_61 : i1
      %add3A_68 = arith.addi %rem3A_59, %select_n3A_58 : i32
      %select_n3A_69 = arith.select %and3A_67, %add3A_68, %rem3A_59 : i32
      %eq3A_70 = arith.constant 1 : i32
      %eq3A_71 = arith.cmpi eq, %select_n3A_69, %eq3A_70 : i32
      %convert_element_type3A_72 = arith.extui %eq3A_71 : i1 to i32
      %cond3A_73 = arith.constant 0 : i32
      %cond3A_74 = arith.cmpi ne, %convert_element_type3A_72, %cond3A_73 : i32
      scf.if %cond3A_74 {
        %add3A_75 = arith.constant 1 : i32
        %add3A_76 = arith.addi %scan3A_35, %add3A_75 : i32
        %lt3A_77 = arith.constant 32 : i32
        %lt3A_78 = arith.cmpi slt, %add3A_76, %lt3A_77 : i32
        %convert_element_type3A_79 = arith.extui %lt3A_78 : i1 to i32
        %cond3A_80 = arith.constant 0 : i32
        %cond3A_81 = arith.cmpi ne, %convert_element_type3A_79, %cond3A_80 : i32
        scf.if %cond3A_81 {
          %ge3A = arith.constant 1 : i32
          %ge3A_95 = arith.cmpi sge, %scan3A_35, %ge3A : i32
          %convert_element_type3A_96 = arith.extui %ge3A_95 : i1 to i32
          %cond3A_97 = arith.constant 0 : i32
          %cond3A_98 = arith.cmpi ne, %convert_element_type3A_96, %cond3A_97 : i32
          scf.if %cond3A_98 {
            %mul3A_110 = arith.constant 32 : i32
            %mul3A_111 = arith.muli %add3A, %mul3A_110 : i32
            %add3A_112 = arith.addi %mul3A_111, %scan3A_35 : i32
            %sub3A = arith.constant 1 : i32
            %sub3A_113 = arith.subi %add3A_112, %sub3A : i32
            %mul3A_114 = arith.constant 800 : i32
            %mul3A_115 = arith.muli %sub3A_113, %mul3A_114 : i32
            %multiple_of3A_116 = tpu.assume_multiple %mul3A_115, 8 : i32
            %dma_wait3A_117 = arith.constant 0 : i32
            %dma_wait3A_118 = tpu.memref_slice %arg5[%multiple_of3A_116, %dma_wait3A_117] : memref<819200x128xf32, #tpu.memory_space<hbm>> -> memref<800x64xf32, #tpu.memory_space<hbm>>
            %dma_wait3A_119 = arith.constant 0 : i32
            %dma_wait3A_120 = tpu.memref_slice %arg5[%multiple_of3A_116, %dma_wait3A_119] : memref<819200x128xf32, #tpu.memory_space<hbm>> -> memref<800x64xf32, #tpu.memory_space<hbm>>
            tpu.wait_dma2 semaphore(%arg13 : memref<!tpu.dma_semaphore, #tpu.memory_space<semaphore_mem>>) src(%arg8 : memref<800x64xf32, #tpu.memory_space<vmem>>) dst(%dma_wait3A_120 : memref<800x64xf32, #tpu.memory_space<hbm>>)
          } else {
          }
          %add3A_99 = arith.constant 1 : i32
          %add3A_100 = arith.addi %scan3A_35, %add3A_99 : i32
          %mul3A_101 = arith.constant 32 : i32
          %mul3A_102 = arith.muli %add3A, %mul3A_101 : i32
          %add3A_103 = arith.addi %mul3A_102, %add3A_100 : i32
          %mul3A_104 = arith.constant 800 : i32
          %mul3A_105 = arith.muli %add3A_103, %mul3A_104 : i32
          %multiple_of3A_106 = tpu.assume_multiple %mul3A_105, 8 : i32
          "tpu.region"() ({
            %run_scoped3A = tpu.sem_alloc : memref<!tpu.dma_semaphore, #tpu.memory_space<semaphore_mem>>
            %dma_start3A_110 = tpu.memref_slice %arg2[%multiple_of3A_106] : memref<819200xi32, #tpu.memory_space<hbm>> -> memref<800xi32, #tpu.memory_space<hbm>>
            %dma_start3A_111 = tpu.memref_slice %arg2[%multiple_of3A_106] : memref<819200xi32, #tpu.memory_space<hbm>> -> memref<800xi32, #tpu.memory_space<hbm>>
            tpu.enqueue_dma source(%dma_start3A_111 : memref<800xi32, #tpu.memory_space<hbm>>) target(%arg6 : memref<800xi32, #tpu.memory_space<vmem>>) target_semaphore(%run_scoped3A : memref<!tpu.dma_semaphore, #tpu.memory_space<semaphore_mem>>)
            %dma_wait3A_112 = tpu.memref_slice %arg2[%multiple_of3A_106] : memref<819200xi32, #tpu.memory_space<hbm>> -> memref<800xi32, #tpu.memory_space<hbm>>
            %dma_wait3A_113 = tpu.memref_slice %arg2[%multiple_of3A_106] : memref<819200xi32, #tpu.memory_space<hbm>> -> memref<800xi32, #tpu.memory_space<hbm>>
            tpu.wait_dma2 semaphore(%run_scoped3A : memref<!tpu.dma_semaphore, #tpu.memory_space<semaphore_mem>>) src(%dma_wait3A_113 : memref<800xi32, #tpu.memory_space<hbm>>) dst(%arg6 : memref<800xi32, #tpu.memory_space<vmem>>)
            tpu.yield
          }) : () -> ()
          %dma_start3A_107 = arith.constant 0 : i32
          %dma_start3A_108 = arith.constant 0 : i32
          %dma_start3A_109 = tpu.memref_slice %arg3[%dma_start3A_107, %dma_start3A_108] : memref<1000000x64xf32, #tpu.memory_space<hbm>> -> memref<1000000x64xf32, #tpu.memory_space<hbm>>
          tpu.enqueue_indirect_dma source(%dma_start3A_109 : memref<1000000x64xf32, #tpu.memory_space<hbm>>) target(%arg8 : memref<800x64xf32, #tpu.memory_space<vmem>>) offsets(%arg6 : memref<800xi32, #tpu.memory_space<vmem>>) semaphore(%arg11 : memref<!tpu.dma_semaphore, #tpu.memory_space<semaphore_mem>>)
        } else {
        }
        %dma_wait3A_82 = arith.constant 0 : i32
        %dma_wait3A_83 = arith.constant 0 : i32
        %dma_wait3A_84 = tpu.memref_slice %arg3[%dma_wait3A_82, %dma_wait3A_83] : memref<1000000x64xf32, #tpu.memory_space<hbm>> -> memref<1000000x64xf32, #tpu.memory_space<hbm>>
        tpu.wait_indirect_dma semaphore(%arg12 : memref<!tpu.dma_semaphore, #tpu.memory_space<semaphore_mem>>) src(%dma_wait3A_84 : memref<1000000x64xf32, #tpu.memory_space<hbm>>) dst(%arg9 : memref<800x64xf32, #tpu.memory_space<vmem>>)
        %scan3A_85 = arith.constant 0 : i32
        %scan3A_86 = arith.constant 0 : i32
        %scan3A_87 = arith.constant 200 : i32
        %scan3A_88 = arith.addi %scan3A_86, %scan3A_87 : i32
        %scan3A_89 = arith.constant 1 : i32
        scf.for %scan3A_95 = %scan3A_86 to %scan3A_88 step %scan3A_89  : i32 {
          %get3A = arith.index_cast %scan3A_95 : i32 to index
          %get3A_96 = arith.constant 0 : index
          %get3A_97 = tpu.vector_load %arg10[%get3A, %get3A_96] {strides = array<i32>} : memref<200x64xf32, #tpu.memory_space<vmem>>, vector<1x16xf32>,
          %get3A_98 = vector.shape_cast %get3A_97 : vector<1x16xf32> to vector<16xf32>
          %get3A_99 = arith.index_cast %scan3A_95 : i32 to index
          %get3A_100 = arith.constant 16 : index
          %get3A_101 = tpu.vector_load %arg10[%get3A_99, %get3A_100] {strides = array<i32>} : memref<200x64xf32, #tpu.memory_space<vmem>>, vector<1x16xf32>,
          %get3A_102 = vector.shape_cast %get3A_101 : vector<1x16xf32> to vector<16xf32>
          %get3A_103 = arith.index_cast %scan3A_95 : i32 to index
          %get3A_104 = arith.constant 32 : index
          %get3A_105 = tpu.vector_load %arg10[%get3A_103, %get3A_104] {strides = array<i32>} : memref<200x64xf32, #tpu.memory_space<vmem>>, vector<1x16xf32>,
          %get3A_106 = vector.shape_cast %get3A_105 : vector<1x16xf32> to vector<16xf32>
          %get3A_107 = arith.index_cast %scan3A_95 : i32 to index
          %get3A_108 = arith.constant 48 : index
          %get3A_109 = tpu.vector_load %arg10[%get3A_107, %get3A_108] {strides = array<i32>} : memref<200x64xf32, #tpu.memory_space<vmem>>, vector<1x16xf32>,
          %get3A_110 = vector.shape_cast %get3A_109 : vector<1x16xf32> to vector<16xf32>
          %add3A_111 = arith.constant 0 : i32
          %add3A_112 = arith.addi %add3A_111, %scan3A_95 : i32
          %get3A_113 = arith.index_cast %add3A_112 : i32 to index
          %get3A_114 = arith.constant 0 : index
          %get3A_115 = tpu.vector_load %arg9[%get3A_113, %get3A_114] {strides = array<i32>} : memref<800x64xf32, #tpu.memory_space<vmem>>, vector<1x16xf32>,
          %get3A_116 = vector.shape_cast %get3A_115 : vector<1x16xf32> to vector<16xf32>
          %add3A_117 = arith.addf %get3A_116, %get3A_98 : vector<16xf32>
          %mul3A_118 = arith.constant 8.000000e+00 : f32
          %mul3A_119 = vector.broadcast %mul3A_118 : f32 to vector<16xf32>
          %mul3A_120 = arith.mulf %add3A_117, %mul3A_119 : vector<16xf32>
          %swap3A = arith.index_cast %add3A_112 : i32 to index
          %swap3A_121 = arith.constant 0 : index
          %swap3A_122 = tpu.vector_load %arg9[%swap3A, %swap3A_121] {strides = array<i32>} : memref<800x64xf32, #tpu.memory_space<vmem>>, vector<1x16xf32>,
          %swap3A_123 = vector.shape_cast %swap3A_122 : vector<1x16xf32> to vector<16xf32>
          %swap3A_124 = vector.shape_cast %mul3A_120 : vector<16xf32> to vector<1x16xf32>
          tpu.vector_store %arg9[%swap3A, %swap3A_121], %swap3A_124 {strides = array<i32>} : memref<800x64xf32, #tpu.memory_space<vmem>>, vector<1x16xf32>,
          %get3A_125 = arith.index_cast %add3A_112 : i32 to index
          %get3A_126 = arith.constant 16 : index
          %get3A_127 = tpu.vector_load %arg9[%get3A_125, %get3A_126] {strides = array<i32>} : memref<800x64xf32, #tpu.memory_space<vmem>>, vector<1x16xf32>,
          %get3A_128 = vector.shape_cast %get3A_127 : vector<1x16xf32> to vector<16xf32>
          %add3A_129 = arith.addf %get3A_128, %get3A_102 : vector<16xf32>
          %mul3A_130 = arith.constant 8.000000e+00 : f32
          %mul3A_131 = vector.broadcast %mul3A_130 : f32 to vector<16xf32>
          %mul3A_132 = arith.mulf %add3A_129, %mul3A_131 : vector<16xf32>
          %swap3A_133 = arith.index_cast %add3A_112 : i32 to index
          %swap3A_134 = arith.constant 16 : index
          %swap3A_135 = tpu.vector_load %arg9[%swap3A_133, %swap3A_134] {strides = array<i32>} : memref<800x64xf32, #tpu.memory_space<vmem>>, vector<1x16xf32>,
          %swap3A_136 = vector.shape_cast %swap3A_135 : vector<1x16xf32> to vector<16xf32>
          %swap3A_137 = vector.shape_cast %mul3A_132 : vector<16xf32> to vector<1x16xf32>
          tpu.vector_store %arg9[%swap3A_133, %swap3A_134], %swap3A_137 {strides = array<i32>} : memref<800x64xf32, #tpu.memory_space<vmem>>, vector<1x16xf32>,
          %get3A_138 = arith.index_cast %add3A_112 : i32 to index
          %get3A_139 = arith.constant 32 : index
          %get3A_140 = tpu.vector_load %arg9[%get3A_138, %get3A_139] {strides = array<i32>} : memref<800x64xf32, #tpu.memory_space<vmem>>, vector<1x16xf32>,
          %get3A_141 = vector.shape_cast %get3A_140 : vector<1x16xf32> to vector<16xf32>
          %add3A_142 = arith.addf %get3A_141, %get3A_106 : vector<16xf32>
          %mul3A_143 = arith.constant 8.000000e+00 : f32
          %mul3A_144 = vector.broadcast %mul3A_143 : f32 to vector<16xf32>
          %mul3A_145 = arith.mulf %add3A_142, %mul3A_144 : vector<16xf32>
          %swap3A_146 = arith.index_cast %add3A_112 : i32 to index
          %swap3A_147 = arith.constant 32 : index
          %swap3A_148 = tpu.vector_load %arg9[%swap3A_146, %swap3A_147] {strides = array<i32>} : memref<800x64xf32, #tpu.memory_space<vmem>>, vector<1x16xf32>,
          %swap3A_149 = vector.shape_cast %swap3A_148 : vector<1x16xf32> to vector<16xf32>
          %swap3A_150 = vector.shape_cast %mul3A_145 : vector<16xf32> to vector<1x16xf32>
          tpu.vector_store %arg9[%swap3A_146, %swap3A_147], %swap3A_150 {strides = array<i32>} : memref<800x64xf32, #tpu.memory_space<vmem>>, vector<1x16xf32>,
          %get3A_151 = arith.index_cast %add3A_112 : i32 to index
          %get3A_152 = arith.constant 48 : index
          %get3A_153 = tpu.vector_load %arg9[%get3A_151, %get3A_152] {strides = array<i32>} : memref<800x64xf32, #tpu.memory_space<vmem>>, vector<1x16xf32>,
          %get3A_154 = vector.shape_cast %get3A_153 : vector<1x16xf32> to vector<16xf32>
          %add3A_155 = arith.addf %get3A_154, %get3A_110 : vector<16xf32>
          %mul3A_156 = arith.constant 8.000000e+00 : f32
          %mul3A_157 = vector.broadcast %mul3A_156 : f32 to vector<16xf32>
          %mul3A_158 = arith.mulf %add3A_155, %mul3A_157 : vector<16xf32>
          %swap3A_159 = arith.index_cast %add3A_112 : i32 to index
          %swap3A_160 = arith.constant 48 : index
          %swap3A_161 = tpu.vector_load %arg9[%swap3A_159, %swap3A_160] {strides = array<i32>} : memref<800x64xf32, #tpu.memory_space<vmem>>, vector<1x16xf32>,
          %swap3A_162 = vector.shape_cast %swap3A_161 : vector<1x16xf32> to vector<16xf32>
          %swap3A_163 = vector.shape_cast %mul3A_158 : vector<16xf32> to vector<1x16xf32>
          tpu.vector_store %arg9[%swap3A_159, %swap3A_160], %swap3A_163 {strides = array<i32>} : memref<800x64xf32, #tpu.memory_space<vmem>>, vector<1x16xf32>,
          %add3A_164 = arith.constant 200 : i32
          %add3A_165 = arith.addi %add3A_164, %scan3A_95 : i32
          %get3A_166 = arith.index_cast %add3A_165 : i32 to index
          %get3A_167 = arith.constant 0 : index
          %get3A_168 = tpu.vector_load %arg9[%get3A_166, %get3A_167] {strides = array<i32>} : memref<800x64xf32, #tpu.memory_space<vmem>>, vector<1x16xf32>,
          %get3A_169 = vector.shape_cast %get3A_168 : vector<1x16xf32> to vector<16xf32>
          %add3A_170 = arith.addf %get3A_169, %get3A_98 : vector<16xf32>
          %mul3A_171 = arith.constant 8.000000e+00 : f32
          %mul3A_172 = vector.broadcast %mul3A_171 : f32 to vector<16xf32>
          %mul3A_173 = arith.mulf %add3A_170, %mul3A_172 : vector<16xf32>
          %swap3A_174 = arith.index_cast %add3A_165 : i32 to index
          %swap3A_175 = arith.constant 0 : index
          %swap3A_176 = tpu.vector_load %arg9[%swap3A_174, %swap3A_175] {strides = array<i32>} : memref<800x64xf32, #tpu.memory_space<vmem>>, vector<1x16xf32>,
          %swap3A_177 = vector.shape_cast %swap3A_176 : vector<1x16xf32> to vector<16xf32>
          %swap3A_178 = vector.shape_cast %mul3A_173 : vector<16xf32> to vector<1x16xf32>
          tpu.vector_store %arg9[%swap3A_174, %swap3A_175], %swap3A_178 {strides = array<i32>} : memref<800x64xf32, #tpu.memory_space<vmem>>, vector<1x16xf32>,
          %get3A_179 = arith.index_cast %add3A_165 : i32 to index
          %get3A_180 = arith.constant 16 : index
          %get3A_181 = tpu.vector_load %arg9[%get3A_179, %get3A_180] {strides = array<i32>} : memref<800x64xf32, #tpu.memory_space<vmem>>, vector<1x16xf32>,
          %get3A_182 = vector.shape_cast %get3A_181 : vector<1x16xf32> to vector<16xf32>
          %add3A_183 = arith.addf %get3A_182, %get3A_102 : vector<16xf32>
          %mul3A_184 = arith.constant 8.000000e+00 : f32
          %mul3A_185 = vector.broadcast %mul3A_184 : f32 to vector<16xf32>
          %mul3A_186 = arith.mulf %add3A_183, %mul3A_185 : vector<16xf32>
          %swap3A_187 = arith.index_cast %add3A_165 : i32 to index
          %swap3A_188 = arith.constant 16 : index
          %swap3A_189 = tpu.vector_load %arg9[%swap3A_187, %swap3A_188] {strides = array<i32>} : memref<800x64xf32, #tpu.memory_space<vmem>>, vector<1x16xf32>,
          %swap3A_190 = vector.shape_cast %swap3A_189 : vector<1x16xf32> to vector<16xf32>
          %swap3A_191 = vector.shape_cast %mul3A_186 : vector<16xf32> to vector<1x16xf32>
          tpu.vector_store %arg9[%swap3A_187, %swap3A_188], %swap3A_191 {strides = array<i32>} : memref<800x64xf32, #tpu.memory_space<vmem>>, vector<1x16xf32>,
          %get3A_192 = arith.index_cast %add3A_165 : i32 to index
          %get3A_193 = arith.constant 32 : index
          %get3A_194 = tpu.vector_load %arg9[%get3A_192, %get3A_193] {strides = array<i32>} : memref<800x64xf32, #tpu.memory_space<vmem>>, vector<1x16xf32>,
          %get3A_195 = vector.shape_cast %get3A_194 : vector<1x16xf32> to vector<16xf32>
          %add3A_196 = arith.addf %get3A_195, %get3A_106 : vector<16xf32>
          %mul3A_197 = arith.constant 8.000000e+00 : f32
          %mul3A_198 = vector.broadcast %mul3A_197 : f32 to vector<16xf32>
          %mul3A_199 = arith.mulf %add3A_196, %mul3A_198 : vector<16xf32>
          %swap3A_200 = arith.index_cast %add3A_165 : i32 to index
          %swap3A_201 = arith.constant 32 : index
          %swap3A_202 = tpu.vector_load %arg9[%swap3A_200, %swap3A_201] {strides = array<i32>} : memref<800x64xf32, #tpu.memory_space<vmem>>, vector<1x16xf32>,
          %swap3A_203 = vector.shape_cast %swap3A_202 : vector<1x16xf32> to vector<16xf32>
          %swap3A_204 = vector.shape_cast %mul3A_199 : vector<16xf32> to vector<1x16xf32>
          tpu.vector_store %arg9[%swap3A_200, %swap3A_201], %swap3A_204 {strides = array<i32>} : memref<800x64xf32, #tpu.memory_space<vmem>>, vector<1x16xf32>,
          %get3A_205 = arith.index_cast %add3A_165 : i32 to index
          %get3A_206 = arith.constant 48 : index
          %get3A_207 = tpu.vector_load %arg9[%get3A_205, %get3A_206] {strides = array<i32>} : memref<800x64xf32, #tpu.memory_space<vmem>>, vector<1x16xf32>,
          %get3A_208 = vector.shape_cast %get3A_207 : vector<1x16xf32> to vector<16xf32>
          %add3A_209 = arith.addf %get3A_208, %get3A_110 : vector<16xf32>
          %mul3A_210 = arith.constant 8.000000e+00 : f32
          %mul3A_211 = vector.broadcast %mul3A_210 : f32 to vector<16xf32>
          %mul3A_212 = arith.mulf %add3A_209, %mul3A_211 : vector<16xf32>
          %swap3A_213 = arith.index_cast %add3A_165 : i32 to index
          %swap3A_214 = arith.constant 48 : index
          %swap3A_215 = tpu.vector_load %arg9[%swap3A_213, %swap3A_214] {strides = array<i32>} : memref<800x64xf32, #tpu.memory_space<vmem>>, vector<1x16xf32>,
          %swap3A_216 = vector.shape_cast %swap3A_215 : vector<1x16xf32> to vector<16xf32>
          %swap3A_217 = vector.shape_cast %mul3A_212 : vector<16xf32> to vector<1x16xf32>
          tpu.vector_store %arg9[%swap3A_213, %swap3A_214], %swap3A_217 {strides = array<i32>} : memref<800x64xf32, #tpu.memory_space<vmem>>, vector<1x16xf32>,
          %add3A_218 = arith.constant 400 : i32
          %add3A_219 = arith.addi %add3A_218, %scan3A_95 : i32
          %get3A_220 = arith.index_cast %add3A_219 : i32 to index
          %get3A_221 = arith.constant 0 : index
          %get3A_222 = tpu.vector_load %arg9[%get3A_220, %get3A_221] {strides = array<i32>} : memref<800x64xf32, #tpu.memory_space<vmem>>, vector<1x16xf32>,
          %get3A_223 = vector.shape_cast %get3A_222 : vector<1x16xf32> to vector<16xf32>
          %add3A_224 = arith.addf %get3A_223, %get3A_98 : vector<16xf32>
          %mul3A_225 = arith.constant 8.000000e+00 : f32
          %mul3A_226 = vector.broadcast %mul3A_225 : f32 to vector<16xf32>
          %mul3A_227 = arith.mulf %add3A_224, %mul3A_226 : vector<16xf32>
          %swap3A_228 = arith.index_cast %add3A_219 : i32 to index
          %swap3A_229 = arith.constant 0 : index
          %swap3A_230 = tpu.vector_load %arg9[%swap3A_228, %swap3A_229] {strides = array<i32>} : memref<800x64xf32, #tpu.memory_space<vmem>>, vector<1x16xf32>,
          %swap3A_231 = vector.shape_cast %swap3A_230 : vector<1x16xf32> to vector<16xf32>
          %swap3A_232 = vector.shape_cast %mul3A_227 : vector<16xf32> to vector<1x16xf32>
          tpu.vector_store %arg9[%swap3A_228, %swap3A_229], %swap3A_232 {strides = array<i32>} : memref<800x64xf32, #tpu.memory_space<vmem>>, vector<1x16xf32>,
          %get3A_233 = arith.index_cast %add3A_219 : i32 to index
          %get3A_234 = arith.constant 16 : index
          %get3A_235 = tpu.vector_load %arg9[%get3A_233, %get3A_234] {strides = array<i32>} : memref<800x64xf32, #tpu.memory_space<vmem>>, vector<1x16xf32>,
          %get3A_236 = vector.shape_cast %get3A_235 : vector<1x16xf32> to vector<16xf32>
          %add3A_237 = arith.addf %get3A_236, %get3A_102 : vector<16xf32>
          %mul3A_238 = arith.constant 8.000000e+00 : f32
          %mul3A_239 = vector.broadcast %mul3A_238 : f32 to vector<16xf32>
          %mul3A_240 = arith.mulf %add3A_237, %mul3A_239 : vector<16xf32>
          %swap3A_241 = arith.index_cast %add3A_219 : i32 to index
          %swap3A_242 = arith.constant 16 : index
          %swap3A_243 = tpu.vector_load %arg9[%swap3A_241, %swap3A_242] {strides = array<i32>} : memref<800x64xf32, #tpu.memory_space<vmem>>, vector<1x16xf32>,
          %swap3A_244 = vector.shape_cast %swap3A_243 : vector<1x16xf32> to vector<16xf32>
          %swap3A_245 = vector.shape_cast %mul3A_240 : vector<16xf32> to vector<1x16xf32>
          tpu.vector_store %arg9[%swap3A_241, %swap3A_242], %swap3A_245 {strides = array<i32>} : memref<800x64xf32, #tpu.memory_space<vmem>>, vector<1x16xf32>,
          %get3A_246 = arith.index_cast %add3A_219 : i32 to index
          %get3A_247 = arith.constant 32 : index
          %get3A_248 = tpu.vector_load %arg9[%get3A_246, %get3A_247] {strides = array<i32>} : memref<800x64xf32, #tpu.memory_space<vmem>>, vector<1x16xf32>,
          %get3A_249 = vector.shape_cast %get3A_248 : vector<1x16xf32> to vector<16xf32>
          %add3A_250 = arith.addf %get3A_249, %get3A_106 : vector<16xf32>
          %mul3A_251 = arith.constant 8.000000e+00 : f32
          %mul3A_252 = vector.broadcast %mul3A_251 : f32 to vector<16xf32>
          %mul3A_253 = arith.mulf %add3A_250, %mul3A_252 : vector<16xf32>
          %swap3A_254 = arith.index_cast %add3A_219 : i32 to index
          %swap3A_255 = arith.constant 32 : index
          %swap3A_256 = tpu.vector_load %arg9[%swap3A_254, %swap3A_255] {strides = array<i32>} : memref<800x64xf32, #tpu.memory_space<vmem>>, vector<1x16xf32>,
          %swap3A_257 = vector.shape_cast %swap3A_256 : vector<1x16xf32> to vector<16xf32>
          %swap3A_258 = vector.shape_cast %mul3A_253 : vector<16xf32> to vector<1x16xf32>
          tpu.vector_store %arg9[%swap3A_254, %swap3A_255], %swap3A_258 {strides = array<i32>} : memref<800x64xf32, #tpu.memory_space<vmem>>, vector<1x16xf32>,
          %get3A_259 = arith.index_cast %add3A_219 : i32 to index
          %get3A_260 = arith.constant 48 : index
          %get3A_261 = tpu.vector_load %arg9[%get3A_259, %get3A_260] {strides = array<i32>} : memref<800x64xf32, #tpu.memory_space<vmem>>, vector<1x16xf32>,
          %get3A_262 = vector.shape_cast %get3A_261 : vector<1x16xf32> to vector<16xf32>
          %add3A_263 = arith.addf %get3A_262, %get3A_110 : vector<16xf32>
          %mul3A_264 = arith.constant 8.000000e+00 : f32
          %mul3A_265 = vector.broadcast %mul3A_264 : f32 to vector<16xf32>
          %mul3A_266 = arith.mulf %add3A_263, %mul3A_265 : vector<16xf32>
          %swap3A_267 = arith.index_cast %add3A_219 : i32 to index
          %swap3A_268 = arith.constant 48 : index
          %swap3A_269 = tpu.vector_load %arg9[%swap3A_267, %swap3A_268] {strides = array<i32>} : memref<800x64xf32, #tpu.memory_space<vmem>>, vector<1x16xf32>,
          %swap3A_270 = vector.shape_cast %swap3A_269 : vector<1x16xf32> to vector<16xf32>
          %swap3A_271 = vector.shape_cast %mul3A_266 : vector<16xf32> to vector<1x16xf32>
          tpu.vector_store %arg9[%swap3A_267, %swap3A_268], %swap3A_271 {strides = array<i32>} : memref<800x64xf32, #tpu.memory_space<vmem>>, vector<1x16xf32>,
          %add3A_272 = arith.constant 600 : i32
          %add3A_273 = arith.addi %add3A_272, %scan3A_95 : i32
          %get3A_274 = arith.index_cast %add3A_273 : i32 to index
          %get3A_275 = arith.constant 0 : index
          %get3A_276 = tpu.vector_load %arg9[%get3A_274, %get3A_275] {strides = array<i32>} : memref<800x64xf32, #tpu.memory_space<vmem>>, vector<1x16xf32>,
          %get3A_277 = vector.shape_cast %get3A_276 : vector<1x16xf32> to vector<16xf32>
          %add3A_278 = arith.addf %get3A_277, %get3A_98 : vector<16xf32>
          %mul3A_279 = arith.constant 8.000000e+00 : f32
          %mul3A_280 = vector.broadcast %mul3A_279 : f32 to vector<16xf32>
          %mul3A_281 = arith.mulf %add3A_278, %mul3A_280 : vector<16xf32>
          %swap3A_282 = arith.index_cast %add3A_273 : i32 to index
          %swap3A_283 = arith.constant 0 : index
          %swap3A_284 = tpu.vector_load %arg9[%swap3A_282, %swap3A_283] {strides = array<i32>} : memref<800x64xf32, #tpu.memory_space<vmem>>, vector<1x16xf32>,
          %swap3A_285 = vector.shape_cast %swap3A_284 : vector<1x16xf32> to vector<16xf32>
          %swap3A_286 = vector.shape_cast %mul3A_281 : vector<16xf32> to vector<1x16xf32>
          tpu.vector_store %arg9[%swap3A_282, %swap3A_283], %swap3A_286 {strides = array<i32>} : memref<800x64xf32, #tpu.memory_space<vmem>>, vector<1x16xf32>,
          %get3A_287 = arith.index_cast %add3A_273 : i32 to index
          %get3A_288 = arith.constant 16 : index
          %get3A_289 = tpu.vector_load %arg9[%get3A_287, %get3A_288] {strides = array<i32>} : memref<800x64xf32, #tpu.memory_space<vmem>>, vector<1x16xf32>,
          %get3A_290 = vector.shape_cast %get3A_289 : vector<1x16xf32> to vector<16xf32>
          %add3A_291 = arith.addf %get3A_290, %get3A_102 : vector<16xf32>
          %mul3A_292 = arith.constant 8.000000e+00 : f32
          %mul3A_293 = vector.broadcast %mul3A_292 : f32 to vector<16xf32>
          %mul3A_294 = arith.mulf %add3A_291, %mul3A_293 : vector<16xf32>
          %swap3A_295 = arith.index_cast %add3A_273 : i32 to index
          %swap3A_296 = arith.constant 16 : index
          %swap3A_297 = tpu.vector_load %arg9[%swap3A_295, %swap3A_296] {strides = array<i32>} : memref<800x64xf32, #tpu.memory_space<vmem>>, vector<1x16xf32>,
          %swap3A_298 = vector.shape_cast %swap3A_297 : vector<1x16xf32> to vector<16xf32>
          %swap3A_299 = vector.shape_cast %mul3A_294 : vector<16xf32> to vector<1x16xf32>
          tpu.vector_store %arg9[%swap3A_295, %swap3A_296], %swap3A_299 {strides = array<i32>} : memref<800x64xf32, #tpu.memory_space<vmem>>, vector<1x16xf32>,
          %get3A_300 = arith.index_cast %add3A_273 : i32 to index
          %get3A_301 = arith.constant 32 : index
          %get3A_302 = tpu.vector_load %arg9[%get3A_300, %get3A_301] {strides = array<i32>} : memref<800x64xf32, #tpu.memory_space<vmem>>, vector<1x16xf32>,
          %get3A_303 = vector.shape_cast %get3A_302 : vector<1x16xf32> to vector<16xf32>
          %add3A_304 = arith.addf %get3A_303, %get3A_106 : vector<16xf32>
          %mul3A_305 = arith.constant 8.000000e+00 : f32
          %mul3A_306 = vector.broadcast %mul3A_305 : f32 to vector<16xf32>
          %mul3A_307 = arith.mulf %add3A_304, %mul3A_306 : vector<16xf32>
          %swap3A_308 = arith.index_cast %add3A_273 : i32 to index
          %swap3A_309 = arith.constant 32 : index
          %swap3A_310 = tpu.vector_load %arg9[%swap3A_308, %swap3A_309] {strides = array<i32>} : memref<800x64xf32, #tpu.memory_space<vmem>>, vector<1x16xf32>,
          %swap3A_311 = vector.shape_cast %swap3A_310 : vector<1x16xf32> to vector<16xf32>
          %swap3A_312 = vector.shape_cast %mul3A_307 : vector<16xf32> to vector<1x16xf32>
          tpu.vector_store %arg9[%swap3A_308, %swap3A_309], %swap3A_312 {strides = array<i32>} : memref<800x64xf32, #tpu.memory_space<vmem>>, vector<1x16xf32>,
          %get3A_313 = arith.index_cast %add3A_273 : i32 to index
          %get3A_314 = arith.constant 48 : index
          %get3A_315 = tpu.vector_load %arg9[%get3A_313, %get3A_314] {strides = array<i32>} : memref<800x64xf32, #tpu.memory_space<vmem>>, vector<1x16xf32>,
          %get3A_316 = vector.shape_cast %get3A_315 : vector<1x16xf32> to vector<16xf32>
          %add3A_317 = arith.addf %get3A_316, %get3A_110 : vector<16xf32>
          %mul3A_318 = arith.constant 8.000000e+00 : f32
          %mul3A_319 = vector.broadcast %mul3A_318 : f32 to vector<16xf32>
          %mul3A_320 = arith.mulf %add3A_317, %mul3A_319 : vector<16xf32>
          %swap3A_321 = arith.index_cast %add3A_273 : i32 to index
          %swap3A_322 = arith.constant 48 : index
          %swap3A_323 = tpu.vector_load %arg9[%swap3A_321, %swap3A_322] {strides = array<i32>} : memref<800x64xf32, #tpu.memory_space<vmem>>, vector<1x16xf32>,
          %swap3A_324 = vector.shape_cast %swap3A_323 : vector<1x16xf32> to vector<16xf32>
          %swap3A_325 = vector.shape_cast %mul3A_320 : vector<16xf32> to vector<1x16xf32>
          tpu.vector_store %arg9[%swap3A_321, %swap3A_322], %swap3A_325 {strides = array<i32>} : memref<800x64xf32, #tpu.memory_space<vmem>>, vector<1x16xf32>,
        }
        %scan3A_90 = arith.constant 200 : i32
        %dma_start3A_91 = arith.constant 0 : i32
        %dma_start3A_92 = tpu.memref_slice %arg5[%multiple_of3A_41, %dma_start3A_91] : memref<819200x128xf32, #tpu.memory_space<hbm>> -> memref<800x64xf32, #tpu.memory_space<hbm>>
        %dma_start3A_93 = arith.constant 0 : i32
        %dma_start3A_94 = tpu.memref_slice %arg5[%multiple_of3A_41, %dma_start3A_93] : memref<819200x128xf32, #tpu.memory_space<hbm>> -> memref<800x64xf32, #tpu.memory_space<hbm>>
        tpu.enqueue_dma source(%arg9 : memref<800x64xf32, #tpu.memory_space<vmem>>) target(%dma_start3A_94 : memref<800x64xf32, #tpu.memory_space<hbm>>) target_semaphore(%arg14 : memref<!tpu.dma_semaphore, #tpu.memory_space<semaphore_mem>>)
      } else {
      }
    }
    %scan3A_13 = arith.constant 32 : i32
    %mul3A_14 = arith.constant 32 : i32
    %mul3A_15 = arith.muli %add3A, %mul3A_14 : i32
    %add3A_16 = arith.constant 30 : i32
    %add3A_17 = arith.addi %mul3A_15, %add3A_16 : i32
    %mul3A_18 = arith.constant 800 : i32
    %mul3A_19 = arith.muli %add3A_17, %mul3A_18 : i32
    %multiple_of3A_20 = tpu.assume_multiple %mul3A_19, 8 : i32
    %dma_wait3A = arith.constant 0 : i32
    %dma_wait3A_21 = tpu.memref_slice %arg5[%multiple_of3A_20, %dma_wait3A] : memref<819200x128xf32, #tpu.memory_space<hbm>> -> memref<800x64xf32, #tpu.memory_space<hbm>>
    %dma_wait3A_22 = arith.constant 0 : i32
    %dma_wait3A_23 = tpu.memref_slice %arg5[%multiple_of3A_20, %dma_wait3A_22] : memref<819200x128xf32, #tpu.memory_space<hbm>> -> memref<800x64xf32, #tpu.memory_space<hbm>>
    tpu.wait_dma2 semaphore(%arg13 : memref<!tpu.dma_semaphore, #tpu.memory_space<semaphore_mem>>) src(%arg8 : memref<800x64xf32, #tpu.memory_space<vmem>>) dst(%dma_wait3A_23 : memref<800x64xf32, #tpu.memory_space<hbm>>)
    %mul3A_24 = arith.constant 32 : i32
    %mul3A_25 = arith.muli %add3A, %mul3A_24 : i32
    %add3A_26 = arith.constant 31 : i32
    %add3A_27 = arith.addi %mul3A_25, %add3A_26 : i32
    %mul3A_28 = arith.constant 800 : i32
    %mul3A_29 = arith.muli %add3A_27, %mul3A_28 : i32
    %multiple_of3A_30 = tpu.assume_multiple %mul3A_29, 8 : i32
    %dma_wait3A_31 = arith.constant 0 : i32
    %dma_wait3A_32 = tpu.memref_slice %arg5[%multiple_of3A_30, %dma_wait3A_31] : memref<819200x128xf32, #tpu.memory_space<hbm>> -> memref<800x64xf32, #tpu.memory_space<hbm>>
    %dma_wait3A_33 = arith.constant 0 : i32
    %dma_wait3A_34 = tpu.memref_slice %arg5[%multiple_of3A_30, %dma_wait3A_33] : memref<819200x128xf32, #tpu.memory_space<hbm>> -> memref<800x64xf32, #tpu.memory_space<hbm>>
    tpu.wait_dma2 semaphore(%arg14 : memref<!tpu.dma_semaphore, #tpu.memory_space<semaphore_mem>>) src(%arg9 : memref<800x64xf32, #tpu.memory_space<vmem>>) dst(%dma_wait3A_34 : memref<800x64xf32, #tpu.memory_space<hbm>>)
    return
  }
}

</mosaic_0001>

<sc_bundles>
// kernel: kernel.3.cloned.1.call-start
scs
__scs_entry_jumppad:
0x0: {  	(pc) =	sbr.rel $0x88, $3  }
0x1: {  	(tag) =	ssettag $0x0;
	lr =	simm.s32 $0x1  }
0x2: {  	[smem:$0x3F9E] =	sst lr;
	_ =	strace $0xD0000000  }
0x3: {  	_ = 	snop  }
0x4: {  	_ = 	snop  }
0x5: {  	_ = 	snop  }
0x6: {  	_ = 	snop  }
0x7: {  	_ = 	snop  }
__scs_overlays_trampoline_lowered:
0x8: {  	[smem:$0x3FAD] =	sst s0  }
0x9: {  	[smem:$0x3FAE] =	sst s1  }
0xa: {  	[smem:$0x3FAF] =	sst s2  }
0xb: {  	[smem:$0x3FB0] =	sst s3  }
0xc: {  	[smem:$0x3FB1] =	sst s4  }
0xd: {  	[smem:$0x3FB2] =	sst s5  }
0xe: {  	[smem:$0x3FB3] =	sst s6  }
0xf: {  	[smem:$0x3FB4] =	sst s7  }
0x10: {  	[smem:$0x3FB5] =	sst s8  }
0x11: {  	[smem:$0x3FB6] =	sst s9;
	s0 =	simm.s32 @!p0 $0x0  }
0x12: {  	s1 =	sld [smem:$0x3F9C];
	s0 =	simm.s32 @p0 $0x1  }
0x13: {  	[smem:$0x3FB7] =	sst s0;
	s0 =	simm.s32 @!p1 $0x0  }
0x14: {  	s2 =	sld [smem:$0x3F9B];
	s0 =	simm.s32 @p1 $0x1  }
0x15: {  	[smem:$0x3FB8] =	sst s0;
	s0 =	simm.s32 @!p2 $0x0  }
0x16: {  	s3 =	sld [smem:$0x3FDB];
	s0 =	simm.s32 @p2 $0x1  }
0x17: {  	s4 =	simm.s32 $0x1BF5;
	[smem:$0x3FBA] =	sst s0  }
0x18: {  	s0 =	sld [smem:$0x3F9D];
	_ =	swait.ge [sflag:s4], $0x0  }
0x19: {  	s7 =	sld [smem:$0x3F9E]  }
0x1a: {  	s8 =	sadd.s32 $0xFFFFE003, lr  }
0x1b: {  	s9 =	sadd.s32 $0xFFFFFEF7, lr;
	s5 =	simm.s32 $0xFFFFFFFF;
	p2 =	slt.u32 s8, $0xFFFFF086  }
0x1c: {  	p1 =	slt.u32 s9, $0xF7A;
	s5 =	simm.s32 @!p2 $0x0  }
0x1d: {  	s5 =	simm.s32 @p1 $0x1;
	p0 =	seq.s32 s7, s2  }
0x1e: {  	s7 =	smul.u32 @!p0 $0xF7A, s2;
	p2 =	seq.s32 @!p0 s5, $0x0  }
0x1f: {  	s9 =	smul.u32 $0xF7A, s1;
	s8 =	simm.s32 @!p0 $0x1BF5;
	p2 =	por !p2, p0  }
0x20: {  	[sflag:s8] =	ssyncset.s32 @!p0 $0xFFFFF086;
	s6 =	sadd.s32 @!p0 s3, s7;
	s7 =	simm.s32 @!p0 $0x108  }
0x21: {  	s3 =	sadd.s32 s3, s9;
	s6 =	sadd.s32 @!p0 $0x88, s6;
	s7 =	simm.s32 @p2 $0x1082  }
0x22: {  	[simem:s7], [sflag:s8] =	dma.local @!p0 [hbm:s6], $0xF7A  }
0x23: {  	s9 =	sor.u32 $0xD0000000, s2;
	s6 =	simm.s32 $0x108;
	_ =	swait.ge @!p0 [sflag:s8], $0x0  }
0x24: {  	s3 =	sadd.s32 $0x88, s3;
	s6 =	simm.s32 @!p1 $0x1082;
	[sflag:s4] =	ssyncset.s32 $0xFFFFF086  }
0x25: {  	[simem:s6], [sflag:s4] =	dma.local [hbm:s3], $0xF7A  }
0x26: {  	[smem:$0x3F9E] =	sst s1;
	(tag) =	ssettag s2;
	_ =	strace s9  }
0x27: {  	s1 =	sld [smem:$0x3FAE]  }
0x28: {  	s2 =	sld [smem:$0x3FAF]  }
0x29: {  	s4 =	sld [smem:$0x3FB1]  }
0x2a: {  	p0 =	seq.s32 s5, $0x0;
	s5 =	sld [smem:$0x3FB2]  }
0x2b: {  	s6 =	sld [smem:$0x3FB3]  }
0x2c: {  	s7 =	sld [smem:$0x3FB4]  }
0x2d: {  	s3 =	simm.s32 $0x108;
	s8 =	sld [smem:$0x3FB5]  }
0x2e: {  	s3 =	simm.s32 @!p0 $0x1082;
	s9 =	sld [smem:$0x3FB6]  }
0x2f: {  	lr =	sadd.s32 s0, s3;
	s0 =	sld [smem:$0x3FAD]  }
0x30: {  	s3 =	sld [smem:$0x3FB0]  }
0x31: {  	[smem:$0x3FB9] =	sst s10  }
0x32: {  	s10 =	sld [smem:$0x3FB7];
	_ =	sdelay $0x3  }
0x33: {  	p0 =	seq.s32 s10, $0x1;
	s10 =	sld [smem:$0x3FB9];
	_ =	sdelay $0x3  }
0x34: {  	[smem:$0x3FB9] =	sst s10  }
0x35: {  	s10 =	sld [smem:$0x3FB8];
	_ =	sdelay $0x3  }
0x36: {  	p1 =	seq.s32 s10, $0x1;
	s10 =	sld [smem:$0x3FB9];
	_ =	sdelay $0x3  }
0x37: {  	[smem:$0x3FB9] =	sst s10  }
0x38: {  	s10 =	sld [smem:$0x3FBA]  }
0x39: {  	_ = 	snop;
	(pc) =	sbr.ind lr, $3  }
0x3a: {  	_ = 	snop  }
0x3b: {  	_ = 	snop  }
0x3c: {  	p2 =	seq.s32 s10, $0x1;
	s10 =	sld [smem:$0x3FB9]  }
0x3d: {  	_ =	shalt  }
0x3e: {  	_ =	shalt  }
0x3f: {  	_ =	shalt  }
0x40: {  	_ =	shalt  }
0x41: {  	_ =	shalt  }
0x42: {  	_ =	shalt  }
0x43: {  	_ =	shalt  }
0x44: {  	_ =	shalt  }
0x45: {  	_ =	shalt  }
0x46: {  	_ =	shalt  }
0x47: {  	_ =	shalt  }
0x48: {  	_ =	shalt  }
0x49: {  	_ =	shalt  }
0x4a: {  	_ =	shalt  }
0x4b: {  	_ =	shalt  }
0x4c: {  	_ =	shalt  }
0x4d: {  	_ =	shalt  }
0x4e: {  	_ =	shalt  }
0x4f: {  	_ =	shalt  }
0x50: {  	_ =	shalt  }
0x51: {  	_ =	shalt  }
0x52: {  	_ =	shalt  }
0x53: {  	_ =	shalt  }
0x54: {  	_ =	shalt  }
0x55: {  	_ =	shalt  }
0x56: {  	_ =	shalt  }
0x57: {  	_ =	shalt  }
0x58: {  	_ =	shalt  }
0x59: {  	_ =	shalt  }
0x5a: {  	_ =	shalt  }
0x5b: {  	_ =	shalt  }
0x5c: {  	_ =	shalt  }
0x5d: {  	_ =	shalt  }
0x5e: {  	_ =	shalt  }
0x5f: {  	_ =	shalt  }
0x60: {  	_ =	shalt  }
0x61: {  	_ =	shalt  }
0x62: {  	_ =	shalt  }
0x63: {  	_ =	shalt  }
0x64: {  	_ =	shalt  }
0x65: {  	_ =	shalt  }
0x66: {  	_ =	shalt  }
0x67: {  	_ =	shalt  }
0x68: {  	_ =	shalt  }
0x69: {  	_ =	shalt  }
0x6a: {  	_ =	shalt  }
0x6b: {  	_ =	shalt  }
0x6c: {  	_ =	shalt  }
0x6d: {  	_ =	shalt  }
0x6e: {  	_ =	shalt  }
0x6f: {  	_ =	shalt  }
0x70: {  	_ =	shalt  }
0x71: {  	_ =	shalt  }
0x72: {  	_ =	shalt  }
0x73: {  	_ =	shalt  }
0x74: {  	_ =	shalt  }
0x75: {  	_ =	shalt  }
0x76: {  	_ =	shalt  }
0x77: {  	_ =	shalt  }
0x78: {  	_ =	shalt  }
0x79: {  	_ =	shalt  }
0x7a: {  	_ =	shalt  }
0x7b: {  	_ =	shalt  }
0x7c: {  	_ =	shalt  }
0x7d: {  	_ =	shalt  }
0x7e: {  	_ =	shalt  }
0x7f: {  	_ =	shalt  }
0x80: {  	_ =	shalt  }
0x81: {  	_ =	shalt  }
0x82: {  	_ =	shalt  }
0x83: {  	_ =	shalt  }
0x84: {  	_ =	shalt  }
0x85: {  	_ =	shalt  }
0x86: {  	_ =	shalt  }
0x87: {  	_ =	shalt  }
.Lfunc_end0:
.L_simem_size_0:
called_computation.1_lowered:
.L_overlay_start_0:
0x88: {  	s2 =	sld [smem:$0x3FD9]  }
0x89: {  	s3 =	sld [smem:$0x3FFE];
	_ =	sdelay $0x1  }
0x8a: {  	s1 =	srdreg.scid  }
0x8b: {  	s0 =	sand.u32 $0x1, s1  }
0x8c: {  	s17 =	sshll.u32 s0, $0xA;
	s2 =	sadd.s32 s3, s2  }
0x8d: {  	s2 =	sadd.s32 s2, s17  }
0x8e: {  	[smem:$0x3FC5] =	sst s2  }
0x8f: {  	_ = 	snop  }
0x90: {  	s2 =	sld [smem:$0x3FD0];
	(tm) =	ssettm $0x1  }
0x91: {  	s18 =	sld [smem:$0x3FFB];
	_ =	sdelay $0x3  }
0x92: {  	_ =	strace s18  }
0x93: {  	s3 =	sld [smem:$0x3FFC];
	_ =	sdelay $0x3  }
0x94: {  	_ =	strace s3  }
0x95: {  	s3 =	sld [smem:$0x3FFD];
	_ =	sdelay $0x3  }
0x96: {  	_ =	strace s3  }
0x97: {  	_ =	strace $0x8FFFFFFF  }
0x98: {  	s19 =	sld [smem:$0x3FDB];
	_ =	sdelay $0x1  }
0x99: {  	s4 =	simm.s32 $_scs_section_size  }
0x9a: {  	s5 =	simm.s32 $_size__tile_overlayer_lowered;
	s6 =	simm.s32 $_tile_overlayer_lowered  }
0x9b: {  	s22 =	simm.s32 $0x1BFF;
	s21 =	sshll.u32 s6, $0x1;
	s3 =	sadd.s32 s4, s19  }
0x9c: {  	s7 =	simm.s32 $0x0;
	s20 =	sshll.u32 s5, $0x1;
	s5 =	sadd.s32 s21, s3  }
0x9d: {  	[timem:s7], [sflag:s22] =	dma.local [hbm:s5], s20  }
0x9e: {  	_ =	swait.ge [sflag:s22], s20  }
0x9f: {  	s4 =	ssub.s32 $0x0, s20;
	[sflag:s22] =	ssyncset.done $0x0  }
0xa0: {  	[sflag:s22] =	ssyncadd.s32 s4;
	_ =	sdelay $0x1  }
0xa1: {  	s23 =	simm.s32 $0x1B8B  }
0xa2: {  	_ =	swait.ge [sflag:s23], $0x1  }
0xa3: {  	[sflag:s23] =	ssyncset.done $0x0  }
0xa4: {  	s25 =	simm.s32 $0x1B8E;
	s24 =	sld [smem:$0x3FFE];
	[sflag:s23] =	ssyncadd.s32 $0xFFFFFFFF  }
0xa5: {  	s26 =	simm.s32 $execute0_lowered;
	[smem:$0x3FD2] =	sst s25  }
0xa6: {  	s5 =	sshll.u32 s26, $0x1;
	_ =	strace $0x80000046;
	[dreg:$0x1] =	wrdreg $0xFFFFFFFF  }
0xa7: {  	s28 =	simm.s32 $_size_execute0_lowered;
	s3 =	sadd.s32 s3, s5;
	[dreg:$0x0] =	wrdreg $0x0  }
0xa8: {  	s5 =	sshll.u32 s28, $0x1;
	[dreg:$0x2] =	wrdreg s3  }
0xa9: {  	[dreg:$0x3] =	wrdreg s5  }
0xaa: {  	[dreg:$0x4] =	wrdreg $0xC0  }
0xab: {  	_ =	task [dreg:s7], $0x5FFFF  }
0xac: {  	[dreg:$0x1] =	wrdreg $0xFFFFFFFF  }
0xad: {  	[dreg:$0x0] =	wrdreg $0x60  }
0xae: {  	[dreg:$0x2] =	wrdreg s2  }
0xaf: {  	[dreg:$0x3] =	wrdreg s24  }
0xb0: {  	[dreg:$0x4] =	wrdreg $0x9  }
0xb1: {  	_ =	task.clear_ibuf [dreg:s7], $0x5FFFF;
	_ =	strace $0x90000046  }
0xb2: {  	s29 =	simm.s32 $0x9;
	_ =	strace $0x80000048  }
0xb3: {  	_ =	swait.ge [sflag:s29], $0x1  }
0xb4: {  	[sflag:s29] =	ssyncadd.s32 $0xFFFFFFFF  }
0xb5: {  	_ =	strace $0x90000048  }
0xb6: {  	_ =	sfence  }
0xb7: {  	s30 =	sld [smem:$0x0];
	_ =	sdelay $0x2  }
0xb8: {  	s31 =	sshll.u32 s1, $0xD;
	s1 =	sshrl.u32 s1, $0x2  }
0xb9: {  	s3 =	sand.u32 $0x4000, s31;
	s1 =	sadd.s32 s1, s30  }
0xba: {  	s0 =	sor.u32 s3, s0;
	s1 =	sshll.u32 s1, $0x11  }
0xbb: {  	s0 =	sor.u32 s1, s0  }
0xbc: {  	s0 =	sadd.s32 $0x8F2B, s0  }
0xbd: {  	[sflag:s0] =	ssyncadd.remote.s32 $0x1  }
0xbe: {  	_ =	sfence.sel $0xFFFF  }
0xbf: {  	[dreg:$0x0] =	wrdreg $0xFFFFFFFF;
	(pc) =	sbr.abs _section_cstart, $3  }
0xc0: {  	[dreg:$0x1] =	wrdreg $0xFFFFFFFF  }
0xc1: {  	_ =	task.clear_ibuf [dreg:s7], $0x2FFFF;
	_ =	strace $0x9FFFFFFF  }
0xc2: {  	(tm) =	ssettm $0x7FFFFFFF  }
0xc3: {  	_ =	shalt  }
tec
execute0_lowered:
.L_overlay_start_1:
0x0: {  	(tag) =	ssettag $0x1  }
0x1: {  	s1 =	rddreg [dreg:$0x0]  }
0x2: {  	s6 =	rddreg [dreg:$0x1]  }
0x3: {  	s0 =	rddreg [dreg:$0x2];
	s3 =	simm.s32 $0x0;
	s4 =	srdreg.scid  }
0x4: {  	s2 =	stileid.u32;
	s12 =	simm.s32 $0x5;
	s13 =	simm.s32 $0x320  }
0x5: {  	s14 =	simm.s32 $0x640;
	s15 =	simm.s32 $0x2;
	s16 =	simm.s32 $0x40  }
0x6: {  	s17 =	simm.s32 $0x80;
	s18 =	simm.s32 $0xCE40;
	s19 =	simm.s32 $0x3  }
0x7: {  	s20 =	simm.s32 $0x4;
	s21 =	simm.s32 $0x1;
	s22 =	simm.s32 $0x0  }
0x8: {  	[smem:$0x7FF] =	sst s3;
	s5 =	sand.u32 $0x1, s4;
	s7 =	sshll.u32 s2, $0x1  }
.Ltmp0:
0x9: {  	s4 =	sadd.s32 $0xF43000, s6;
	_ =	strace $0x80000047;
	(pc) =	sbr.rel .LBB2_1-.Ltmp0, $4  }
0xa: {  	s8 =	ssub.s32 $0x2, s5;
	s7 =	sor.u32 s5, s7;
	s5 =	sadd.s32 $0xC00, s6  }
0xb: {  	s9 =	sshrl.u32 s8, $0x1;
	s10 =	smul.u32 $0xC80, s7;
	s7 =	sshll.u32 s7, $0x5  }
0xc: {  	s6 =	sadd.s32 $0x1400, s6;
	s11 =	ssub.s32 s8, s9;
	s9 =	sor.u32 $0x1, s7  }
0xd: {  	s8 =	sadd.s32 s1, s10;
	s10 =	smax.u32 s11, $0x1;
	s11 =	simm.s32 $0x19640  }
.LBB2_14:
0xe: {  	s22 =	sadd.s32 $0x1, s22  }
0xf: {  	_ =	swait.ge [sflag:s19], $0xC800;
	p0 =	sne.s32 s22, s10  }
.Ltmp1:
0x10: {  	[sflag:s19] =	ssyncset.done $0x0;
	(pc) =	sbr.rel @!p0 .LBB2_15-.Ltmp1, $4  }
0x11: {  	[sflag:s19] =	ssyncadd.s32 $0xFFFF3800  }
0x12: {  	_ =	swait.ge [sflag:s20], $0xC800  }
0x13: {  	[sflag:s20] =	ssyncset.done $0x0  }
0x14: {  	[sflag:s20] =	ssyncadd.s32 $0xFFFF3800  }
.LBB2_1:
0x15: {  	[tilespmem:s11], [sflag:$0x5] =	stream.linear.gather [hbm4b:s5+s3], $0x3200, $0x38;
	[tilespmem:$0x1C840] =	vst v63  }
0x16: {  	_ =	swait.ge [sflag:s12], $0x3200  }
0x17: {  	[sflag:s12] =	ssyncset.done $0x0  }
0x18: {  	[sflag:s12] =	ssyncadd.s32 $0xFFFFCE00  }
0x19: {  	[tilespmem:s3], [sflag:$0x5] =	stream.linear.gather [hbm4b:s8+s3], $0x320, $0x38;
	[tilespmem:$0x1C840] =	vst v63  }
.Ltmp2:
0x1a: {  	_ = 	snop;
	(pc) =	sbr.rel .LBB2_2-.Ltmp2, $4  }
0x1b: {  	_ =	swait.ge [sflag:s12], $0x320  }
0x1c: {  	[sflag:s12] =	ssyncset.done $0x0  }
0x1d: {  	s23 =	simm.s32 $0x0;
	[sflag:s12] =	ssyncadd.s32 $0xFFFFFCE0  }
0x1e: {  	[tilespmem:s14], [sflag:$0x1] =	stream.indirect.gather [hbm4b:s4+s13], $0x40, s3, s13, $0xb8;
	[tilespmem:$0x1C840] =	vst v63  }
.LBB2_13:
0x1f: {  	s23 =	sadd.s32 $0x1, s23  }
0x20: {  	p0 =	sne.s32 s23, $0x20  }
.Ltmp3:
0x21: {  	_ = 	snop;
	(pc) =	sbr.rel @!p0 .LBB2_14-.Ltmp3, $1  }
0x22: {  	_ =	sdelay $0x3  }
.LBB2_2:
0x23: {  	s25 =	sand.u32 $0x1, s23  }
0x24: {  	p0 =	seq.s32 s25, $0x1  }
.Ltmp4:
0x25: {  	_ = 	snop;
	(pc) =	sbr.rel @p0 .LBB2_10-.Ltmp4, $2  }
0x26: {  	_ =	sdelay $0x2  }
0x27: {  	s24 =	sor.u32 s7, s23  }
0x28: {  	p0 =	seq.s32 s23, $0x0  }
.Ltmp5:
0x29: {  	_ = 	snop;
	(pc) =	sbr.rel @p0 .LBB2_6-.Ltmp5, $1  }
0x2a: {  	_ =	sdelay $0x3  }
0x2b: {  	p0 =	seq.s32 s23, $0x1F  }
.Ltmp6:
0x2c: {  	_ = 	snop;
	(pc) =	sbr.rel @p0 .LBB2_7-.Ltmp6, $1  }
0x2d: {  	_ =	sdelay $0x3  }
0x2e: {  	_ =	swait.ge [sflag:s20], $0xC800  }
0x2f: {  	[sflag:s20] =	ssyncset.done $0x0  }
0x30: {  	[sflag:s20] =	ssyncadd.s32 $0xFFFF3800  }
.LBB2_6:
0x31: {  	s26 =	sor.u32 $0x1, s23  }
0x32: {  	s26 =	sadd.s32 s7, s26  }
0x33: {  	s26 =	smul.u32 $0x64, s26;
	_ =	sdelay $0x1  }
0x34: {  	s26 =	sadd.s32 s1, s26  }
0x35: {  	[tilespmem:s13], [sflag:$0x5] =	stream.linear.gather [hbm4b:s26+s3], $0x320, $0x38;
	[tilespmem:$0x1C840] =	vst v63  }
0x36: {  	_ =	swait.ge [sflag:s12], $0x320  }
0x37: {  	[sflag:s12] =	ssyncset.done $0x0  }
0x38: {  	[sflag:s12] =	ssyncadd.s32 $0xFFFFFCE0  }
0x39: {  	[tilespmem:s18], [sflag:$0x2] =	stream.indirect.gather [hbm4b:s4+s13], $0x40, s13, s13, $0xb8;
	[tilespmem:$0x1C840] =	vst v63  }
.LBB2_7:
0x3a: {  	_ =	swait.ge [sflag:s21], $0xC800  }
0x3b: {  	[sflag:s21] =	ssyncset.done $0x0  }
0x3c: {  	s26 =	simm.s32 $0x0;
	[sflag:s21] =	ssyncadd.s32 $0xFFFF3800  }
0x3d: {  	v3 =	vld [tilespmem:s26+$0x19640]  }
0x3e: {  	v2 =	vld [tilespmem:s26+$0x19650]  }
0x3f: {  	v4 =	vld [tilespmem:s26+$0x640]  }
0x40: {  	v1 =	vld [tilespmem:s26+$0x19660]  }
0x41: {  	v0 =	vld [tilespmem:s26+$0x19670]  }
0x42: {  	v5 =	vld [tilespmem:s26+$0x650]  }
0x43: {  	v7 =	vld [tilespmem:s26+$0x670]  }
0x44: {  	v6 =	vld [tilespmem:s26+$0x660];
	v4 =	vadd.f32 v4, v3  }
0x45: {  	v8 =	vld [tilespmem:s26+$0x3840]  }
0x46: {  	v9 =	vld [tilespmem:s26+$0x3850];
	v4 =	vmul.f32 $8.000000000e+00, v4  }
0x47: {  	v10 =	vld [tilespmem:s26+$0x3860];
	v5 =	vadd.f32 v5, v2  }
0x48: {  	v11 =	vld [tilespmem:s26+$0x3870];
	[tilespmem:s26+$0x640] =	vst v4;
	v4 =	vadd.f32 v7, v0  }
0x49: {  	v12 =	vld [tilespmem:s26+$0x6A40];
	v6 =	vadd.f32 v6, v1;
	v5 =	vmul.f32 $8.000000000e+00, v5  }
0x4a: {  	v13 =	vld [tilespmem:s26+$0x6A50];
	v7 =	vadd.f32 v8, v3;
	v8 =	vmul.f32 $8.000000000e+00, v4  }
0x4b: {  	v9 =	vadd.f32 v9, v2;
	v6 =	vmul.f32 $8.000000000e+00, v6;
	[tilespmem:s26+$0x650] =	vst v5;
	v5 =	vld [tilespmem:s26+$0x6A60]  }
0x4c: {  	v4 =	vld [tilespmem:s26+$0x6A70];
	v7 =	vmul.f32 $8.000000000e+00, v7;
	[tilespmem:s26+$0x670] =	vst v8;
	v8 =	vadd.f32 v10, v1  }
0x4d: {  	v9 =	vmul.f32 $8.000000000e+00, v9;
	[tilespmem:s26+$0x660] =	vst v6;
	v6 =	vld [tilespmem:s26+$0x9C40];
	v10 =	vadd.f32 v11, v0  }
0x4e: {  	v12 =	vadd.f32 v12, v3;
	[tilespmem:s26+$0x3840] =	vst v7;
	v7 =	vld [tilespmem:s26+$0x9C50];
	v11 =	vmul.f32 $8.000000000e+00, v8  }
0x4f: {  	s28 =	simm.s32 $0x100;
	[tilespmem:s26+$0x3850] =	vst v9;
	v9 =	vmul.f32 $8.000000000e+00, v10;
	v10 =	vadd.f32 v13, v2;
	v8 =	vld [tilespmem:s26+$0x9C60]  }
.LBB2_8:
0x50: {  	s29 =	sshra.s32 s28, $0x2;
	p0 =	sne.s32 s28, $0xC700;
	[tilespmem:s26+$0x3860] =	vst v11;
	v11 =	vmul.f32 $8.000000000e+00, v12;
	v5 =	vadd.f32 v5, v1;
	v12 =	vld [tilespmem:s26+$0x9C70]  }
0x51: {  	v13 =	vld [tilespmem:s29+$0x19640];
	[tilespmem:s26+$0x3870] =	vst v9;
	v9 =	vmul.f32 $8.000000000e+00, v10;
	v4 =	vadd.f32 v4, v0  }
0x52: {  	v10 =	vld [tilespmem:s29+$0x19650];
	[tilespmem:s26+$0x6A40] =	vst v11;
	v5 =	vmul.f32 $8.000000000e+00, v5;
	v3 =	vadd.f32 v6, v3  }
0x53: {  	v6 =	vld [tilespmem:s29+$0x19660];
	[tilespmem:s26+$0x6A50] =	vst v9;
	v4 =	vmul.f32 $8.000000000e+00, v4;
	v2 =	vadd.f32 v7, v2  }
0x54: {  	v7 =	vld [tilespmem:s29+$0x19670];
	[tilespmem:s26+$0x6A60] =	vst v5;
	v9 =	vmul.f32 $8.000000000e+00, v3;
	v1 =	vadd.f32 v8, v1  }
0x55: {  	v5 =	vld [tilespmem:s29+$0x640];
	[tilespmem:s26+$0x6A70] =	vst v4;
	v11 =	vmul.f32 $8.000000000e+00, v2;
	v0 =	vadd.f32 v12, v0  }
0x56: {  	v4 =	vld [tilespmem:s29+$0x650];
	[tilespmem:s26+$0x9C40] =	vst v9;
	v12 =	vmul.f32 $8.000000000e+00, v1;
	v3 =	vmov v13  }
0x57: {  	v8 =	vld [tilespmem:s29+$0x660];
	[tilespmem:s26+$0x9C50] =	vst v11;
	v11 =	vmul.f32 $8.000000000e+00, v0;
	v2 =	vmov v10  }
0x58: {  	v9 =	vld [tilespmem:s29+$0x670];
	[tilespmem:s26+$0x9C60] =	vst v12;
	v1 =	vmov v6  }
0x59: {  	v6 =	vld [tilespmem:s29+$0x3840];
	[tilespmem:s26+$0x9C70] =	vst v11;
	v0 =	vmov v7;
	s26 =	smov.u32 s29  }
0x5a: {  	v5 =	vadd.f32 v5, v3;
	v7 =	vld [tilespmem:s26+$0x3850]  }
0x5b: {  	v4 =	vadd.f32 v4, v2;
	v10 =	vld [tilespmem:s26+$0x3860]  }
0x5c: {  	v5 =	vmul.f32 $8.000000000e+00, v5;
	v8 =	vadd.f32 v8, v1;
	v11 =	vld [tilespmem:s26+$0x3870]  }
0x5d: {  	v4 =	vmul.f32 $8.000000000e+00, v4;
	v9 =	vadd.f32 v9, v0;
	v12 =	vld [tilespmem:s26+$0x6A40]  }
0x5e: {  	[tilespmem:s26+$0x640] =	vst v5;
	v8 =	vmul.f32 $8.000000000e+00, v8;
	v6 =	vadd.f32 v6, v3;
	v13 =	vld [tilespmem:s26+$0x6A50]  }
.Ltmp7:
0x5f: {  	[tilespmem:s26+$0x650] =	vst v4;
	v9 =	vmul.f32 $8.000000000e+00, v9;
	v7 =	vadd.f32 v7, v2;
	v5 =	vld [tilespmem:s26+$0x6A60];
	(pc) =	sbr.rel @p0 .LBB2_8-.Ltmp7, $4  }
0x60: {  	[tilespmem:s26+$0x660] =	vst v8;
	v8 =	vmul.f32 $8.000000000e+00, v6;
	v10 =	vadd.f32 v10, v1;
	v4 =	vld [tilespmem:s26+$0x6A70]  }
0x61: {  	[tilespmem:s26+$0x670] =	vst v9;
	v9 =	vmul.f32 $8.000000000e+00, v7;
	v14 =	vadd.f32 v11, v0;
	v6 =	vld [tilespmem:s26+$0x9C40]  }
0x62: {  	[tilespmem:s26+$0x3840] =	vst v8;
	v11 =	vmul.f32 $8.000000000e+00, v10;
	v12 =	vadd.f32 v12, v3;
	v7 =	vld [tilespmem:s26+$0x9C50]  }
0x63: {  	s28 =	sadd.s32 $0x100, s28;
	[tilespmem:s26+$0x3850] =	vst v9;
	v9 =	vmul.f32 $8.000000000e+00, v14;
	v10 =	vadd.f32 v13, v2;
	v8 =	vld [tilespmem:s26+$0x9C60]  }
0x64: {  	[tilespmem:s26+$0x3860] =	vst v11;
	v59 =	vmul.f32 $8.000000000e+00, v12;
	v5 =	vadd.f32 v5, v1;
	v60 =	vld [tilespmem:s26+$0x9C70]  }
0x65: {  	[tilespmem:s26+$0x3870] =	vst v9;
	v61 =	vmul.f32 $8.000000000e+00, v10;
	v4 =	vadd.f32 v4, v0  }
0x66: {  	[tilespmem:s26+$0x6A40] =	vst v59;
	v5 =	vmul.f32 $8.000000000e+00, v5;
	v3 =	vadd.f32 v6, v3  }
0x67: {  	[tilespmem:s26+$0x6A50] =	vst v61;
	v4 =	vmul.f32 $8.000000000e+00, v4;
	v2 =	vadd.f32 v7, v2  }
0x68: {  	[tilespmem:s26+$0x6A60] =	vst v5;
	v3 =	vmul.f32 $8.000000000e+00, v3;
	v62 =	vadd.f32 v8, v1  }
0x69: {  	p0 =	seq.s32 s25, $0x0;
	[tilespmem:s26+$0x6A70] =	vst v4;
	v2 =	vmul.f32 $8.000000000e+00, v2;
	v63 =	vadd.f32 v60, v0  }
.Ltmp8:
0x6a: {  	[tilespmem:s26+$0x9C40] =	vst v3;
	v1 =	vmul.f32 $8.000000000e+00, v62;
	(pc) =	sbr.rel @p0 .LBB2_13-.Ltmp8, $4  }
0x6b: {  	s28 =	smul.u32 $0x3200, s24;
	[tilespmem:s26+$0x9C50] =	vst v2;
	v0 =	vmul.f32 $8.000000000e+00, v63  }
0x6c: {  	[tilespmem:s26+$0x9C60] =	vst v1  }
0x6d: {  	s31 =	sadd.s32 s6, s28;
	[tilespmem:s26+$0x9C70] =	vst v0  }
0x6e: {  	[hbm4b:s31+s16] =	stream.strided.scatter [tilespmem:s14], [sflag:$0x3], $0xC800, s17, s16, $0x38;
	[tilespmem:$0x1C840] =	vst v63  }
.LBB2_10:
0x6f: {  	p0 =	seq.s32 s23, $0x1F  }
0x70: {  	s25 =	simm.s32 @!p0 $0x3;
	s26 =	sadd.s32 @!p0 s23, s9  }
0x71: {  	_ =	swait.ge @!p0 [sflag:s25], $0xC800;
	s26 =	smul.u32 @!p0 $0x64, s26  }
0x72: {  	[sflag:s25] =	ssyncset.done @!p0 $0x0  }
0x73: {  	[sflag:s25] =	ssyncadd.s32 @!p0 $0xFFFF3800;
	s25 =	sadd.s32 @!p0 s1, s26;
	s26 =	simm.s32 @!p0 $0x0  }
0x74: {  	[tilespmem:s26], [sflag:$0x5] =	stream.linear.gather @!p0 [hbm4b:s25+s26], $0x320, $0x38;
	[tilespmem:$0x1C840] =	vst v63  }
0x75: {  	s25 =	simm.s32 @!p0 $0x5  }
0x76: {  	_ =	swait.ge @!p0 [sflag:s25], $0x320  }
0x77: {  	[sflag:s25] =	ssyncset.done @!p0 $0x0  }
0x78: {  	s28 =	simm.s32 @!p0 $0x640;
	[sflag:s25] =	ssyncadd.s32 @!p0 $0xFFFFFCE0;
	s25 =	simm.s32 @!p0 $0x320  }
0x79: {  	[tilespmem:s28], [sflag:$0x1] =	stream.indirect.gather @!p0 [hbm4b:s4+s25], $0x40, s26, s25, $0xb8;
	[tilespmem:$0x1C840] =	vst v63  }
0x7a: {  	_ =	swait.ge [sflag:s15], $0xC800  }
0x7b: {  	[sflag:s15] =	ssyncset.done $0x0  }
0x7c: {  	s25 =	simm.s32 $0x0;
	[sflag:s15] =	ssyncadd.s32 $0xFFFF3800  }
0x7d: {  	v3 =	vld [tilespmem:s25+$0x19640]  }
0x7e: {  	v2 =	vld [tilespmem:s25+$0x19650]  }
0x7f: {  	v4 =	vld [tilespmem:s25+$0xCE40]  }
0x80: {  	v1 =	vld [tilespmem:s25+$0x19660]  }
0x81: {  	v0 =	vld [tilespmem:s25+$0x19670]  }
0x82: {  	v5 =	vld [tilespmem:s25+$0xCE50]  }
0x83: {  	v7 =	vld [tilespmem:s25+$0xCE70]  }
0x84: {  	v6 =	vld [tilespmem:s25+$0xCE60];
	v4 =	vadd.f32 v4, v3  }
0x85: {  	v8 =	vld [tilespmem:s25+$0x10040]  }
0x86: {  	v9 =	vld [tilespmem:s25+$0x10050];
	v4 =	vmul.f32 $8.000000000e+00, v4  }
0x87: {  	v10 =	vld [tilespmem:s25+$0x10060];
	v5 =	vadd.f32 v5, v2  }
0x88: {  	v11 =	vld [tilespmem:s25+$0x10070];
	[tilespmem:s25+$0xCE40] =	vst v4;
	v4 =	vadd.f32 v7, v0  }
0x89: {  	v12 =	vld [tilespmem:s25+$0x13240];
	v6 =	vadd.f32 v6, v1;
	v5 =	vmul.f32 $8.000000000e+00, v5  }
0x8a: {  	v13 =	vld [tilespmem:s25+$0x13250];
	v7 =	vadd.f32 v8, v3;
	v8 =	vmul.f32 $8.000000000e+00, v4  }
0x8b: {  	v9 =	vadd.f32 v9, v2;
	v6 =	vmul.f32 $8.000000000e+00, v6;
	[tilespmem:s25+$0xCE50] =	vst v5;
	v5 =	vld [tilespmem:s25+$0x13260]  }
0x8c: {  	v4 =	vld [tilespmem:s25+$0x13270];
	v7 =	vmul.f32 $8.000000000e+00, v7;
	[tilespmem:s25+$0xCE70] =	vst v8;
	v8 =	vadd.f32 v10, v1  }
0x8d: {  	v9 =	vmul.f32 $8.000000000e+00, v9;
	[tilespmem:s25+$0xCE60] =	vst v6;
	v6 =	vld [tilespmem:s25+$0x16440];
	v10 =	vadd.f32 v11, v0  }
0x8e: {  	v12 =	vadd.f32 v12, v3;
	[tilespmem:s25+$0x10040] =	vst v7;
	v7 =	vld [tilespmem:s25+$0x16450];
	v11 =	vmul.f32 $8.000000000e+00, v8  }
0x8f: {  	s26 =	simm.s32 $0x100;
	[tilespmem:s25+$0x10050] =	vst v9;
	v9 =	vmul.f32 $8.000000000e+00, v10;
	v10 =	vadd.f32 v13, v2;
	v8 =	vld [tilespmem:s25+$0x16460]  }
.LBB2_11:
0x90: {  	s28 =	sshra.s32 s26, $0x2;
	p0 =	sne.s32 s26, $0xC700;
	[tilespmem:s25+$0x10060] =	vst v11;
	v11 =	vmul.f32 $8.000000000e+00, v12;
	v5 =	vadd.f32 v5, v1;
	v12 =	vld [tilespmem:s25+$0x16470]  }
0x91: {  	v13 =	vld [tilespmem:s28+$0x19640];
	[tilespmem:s25+$0x10070] =	vst v9;
	v9 =	vmul.f32 $8.000000000e+00, v10;
	v4 =	vadd.f32 v4, v0  }
0x92: {  	v10 =	vld [tilespmem:s28+$0x19650];
	[tilespmem:s25+$0x13240] =	vst v11;
	v5 =	vmul.f32 $8.000000000e+00, v5;
	v3 =	vadd.f32 v6, v3  }
0x93: {  	v6 =	vld [tilespmem:s28+$0x19660];
	[tilespmem:s25+$0x13250] =	vst v9;
	v4 =	vmul.f32 $8.000000000e+00, v4;
	v2 =	vadd.f32 v7, v2  }
0x94: {  	v7 =	vld [tilespmem:s28+$0x19670];
	[tilespmem:s25+$0x13260] =	vst v5;
	v9 =	vmul.f32 $8.000000000e+00, v3;
	v1 =	vadd.f32 v8, v1  }
0x95: {  	v5 =	vld [tilespmem:s28+$0xCE40];
	[tilespmem:s25+$0x13270] =	vst v4;
	v11 =	vmul.f32 $8.000000000e+00, v2;
	v0 =	vadd.f32 v12, v0  }
0x96: {  	v4 =	vld [tilespmem:s28+$0xCE50];
	[tilespmem:s25+$0x16440] =	vst v9;
	v12 =	vmul.f32 $8.000000000e+00, v1;
	v3 =	vmov v13  }
0x97: {  	v8 =	vld [tilespmem:s28+$0xCE60];
	[tilespmem:s25+$0x16450] =	vst v11;
	v11 =	vmul.f32 $8.000000000e+00, v0;
	v2 =	vmov v10  }
0x98: {  	v9 =	vld [tilespmem:s28+$0xCE70];
	[tilespmem:s25+$0x16460] =	vst v12;
	v1 =	vmov v6  }
0x99: {  	v6 =	vld [tilespmem:s28+$0x10040];
	[tilespmem:s25+$0x16470] =	vst v11;
	v0 =	vmov v7;
	s25 =	smov.u32 s28  }
0x9a: {  	v5 =	vadd.f32 v5, v3;
	v7 =	vld [tilespmem:s25+$0x10050]  }
0x9b: {  	v4 =	vadd.f32 v4, v2;
	v10 =	vld [tilespmem:s25+$0x10060]  }
0x9c: {  	v5 =	vmul.f32 $8.000000000e+00, v5;
	v8 =	vadd.f32 v8, v1;
	v11 =	vld [tilespmem:s25+$0x10070]  }
0x9d: {  	v4 =	vmul.f32 $8.000000000e+00, v4;
	v9 =	vadd.f32 v9, v0;
	v12 =	vld [tilespmem:s25+$0x13240]  }
0x9e: {  	[tilespmem:s25+$0xCE40] =	vst v5;
	v8 =	vmul.f32 $8.000000000e+00, v8;
	v6 =	vadd.f32 v6, v3;
	v13 =	vld [tilespmem:s25+$0x13250]  }
.Ltmp9:
0x9f: {  	[tilespmem:s25+$0xCE50] =	vst v4;
	v9 =	vmul.f32 $8.000000000e+00, v9;
	v7 =	vadd.f32 v7, v2;
	v5 =	vld [tilespmem:s25+$0x13260];
	(pc) =	sbr.rel @p0 .LBB2_11-.Ltmp9, $4  }
0xa0: {  	[tilespmem:s25+$0xCE60] =	vst v8;
	v8 =	vmul.f32 $8.000000000e+00, v6;
	v10 =	vadd.f32 v10, v1;
	v4 =	vld [tilespmem:s25+$0x13270]  }
0xa1: {  	[tilespmem:s25+$0xCE70] =	vst v9;
	v9 =	vmul.f32 $8.000000000e+00, v7;
	v14 =	vadd.f32 v11, v0;
	v6 =	vld [tilespmem:s25+$0x16440]  }
0xa2: {  	[tilespmem:s25+$0x10040] =	vst v8;
	v11 =	vmul.f32 $8.000000000e+00, v10;
	v12 =	vadd.f32 v12, v3;
	v7 =	vld [tilespmem:s25+$0x16450]  }
0xa3: {  	s26 =	sadd.s32 $0x100, s26;
	[tilespmem:s25+$0x10050] =	vst v9;
	v9 =	vmul.f32 $8.000000000e+00, v14;
	v10 =	vadd.f32 v13, v2;
	v8 =	vld [tilespmem:s25+$0x16460]  }
0xa4: {  	[tilespmem:s25+$0x10060] =	vst v11;
	v59 =	vmul.f32 $8.000000000e+00, v12;
	v5 =	vadd.f32 v5, v1;
	v60 =	vld [tilespmem:s25+$0x16470]  }
0xa5: {  	[tilespmem:s25+$0x10070] =	vst v9;
	v61 =	vmul.f32 $8.000000000e+00, v10;
	v4 =	vadd.f32 v4, v0  }
0xa6: {  	[tilespmem:s25+$0x13240] =	vst v59;
	v5 =	vmul.f32 $8.000000000e+00, v5;
	v3 =	vadd.f32 v6, v3  }
0xa7: {  	[tilespmem:s25+$0x13250] =	vst v61;
	v4 =	vmul.f32 $8.000000000e+00, v4;
	v2 =	vadd.f32 v7, v2  }
0xa8: {  	[tilespmem:s25+$0x13260] =	vst v5;
	v3 =	vmul.f32 $8.000000000e+00, v3;
	v62 =	vadd.f32 v8, v1  }
0xa9: {  	[tilespmem:s25+$0x13270] =	vst v4;
	v2 =	vmul.f32 $8.000000000e+00, v2;
	v63 =	vadd.f32 v60, v0  }
.Ltmp10:
0xaa: {  	[tilespmem:s25+$0x16440] =	vst v3;
	v1 =	vmul.f32 $8.000000000e+00, v62;
	(pc) =	sbr.rel .LBB2_13-.Ltmp10, $4  }
0xab: {  	s24 =	smul.u32 $0x3200, s24;
	[tilespmem:s25+$0x16450] =	vst v2;
	v0 =	vmul.f32 $8.000000000e+00, v63  }
0xac: {  	[tilespmem:s25+$0x16460] =	vst v1  }
0xad: {  	s24 =	sadd.s32 s6, s24;
	[tilespmem:s25+$0x16470] =	vst v0  }
0xae: {  	[hbm4b:s24+s16] =	stream.strided.scatter [tilespmem:s18], [sflag:$0x4], $0xC800, s17, s16, $0x38;
	[tilespmem:$0x1C840] =	vst v63  }
.LBB2_15:
0xaf: {  	_ =	sfence.sel $0x180000  }
0xb0: {  	[bflag:$0x0] =	sbarrier.arrive $0xFFFF  }
0xb1: {  	p0 =	sne.s32 s2, $0x0;
	_ =	strace $0x90000047  }
0xb2: {  	s0 =	sadd.s32 @!p0 $0x100000, s0;
	[bflag:$0x2] =	sbarrier.arrive $0xFFFF  }
0xb3: {  	[sflag:s0] =	ssyncadd.tile.s32 @!p0 $0x1;
	_ =	shalt  }
.Lfunc_end2:
_tile_overlayer_lowered:
.L_overlay_start_2:
0xb4: {  	(tag) =	ssettag $0x2  }
0xb5: {  	s0 =	rddreg [dreg:$0x0];
	s2 =	stileid.u32  }
0xb6: {  	s1 =	rddreg [dreg:$0x1];
	p0 =	sne.s32 s2, $0x0  }
0xb7: {  	s3 =	rddreg [dreg:$0x2];
	[bflag:$0x3] =	sbarrier.arrive $0xFFFF;
	s2 =	simm.s32 @!p0 $0x1C05  }
0xb8: {  	[timem:s3], [sflag:s2] =	dma.local @!p0 [hbm:s0], s1  }
0xb9: {  	s0 =	simm.s32 @!p0 $0x5  }
0xba: {  	_ =	swait.ge @!p0 [sflag:s0], s1  }
0xbb: {  	s1 =	ssub.s32 @!p0 $0x0, s1;
	[sflag:s0] =	ssyncset.done @!p0 $0x0  }
0xbc: {  	[sflag:s0] =	ssyncadd.s32 @!p0 s1  }
0xbd: {  	[bflag:$0x3] =	sbarrier.arrive $0xFFFF  }
0xbe: {  	_ =	shalt  }

// kernel: sparse-core-data-format-call.cloned.1.call-start
scs
called_computation_lowered:
.L_overlay_start_0:
0x0: {  	s2 =	sld [smem:$0x3FD9]  }
0x1: {  	s3 =	sld [smem:$0x3FFE];
	_ =	sdelay $0x1  }
0x2: {  	s1 =	srdreg.scid  }
0x3: {  	s0 =	sand.u32 $0x1, s1  }
0x4: {  	s18 =	sshll.u32 s0, $0xA;
	s2 =	sadd.s32 s3, s2  }
0x5: {  	s2 =	sadd.s32 s2, s18  }
0x6: {  	[smem:$0x3FC5] =	sst s2  }
0x7: {  	_ = 	snop  }
0x8: {  	s2 =	sld [smem:$0x3FD0];
	(tm) =	ssettm $0x1  }
0x9: {  	s19 =	sld [smem:$0x3FFB];
	_ =	sdelay $0x3  }
0xa: {  	_ =	strace s19  }
0xb: {  	s3 =	sld [smem:$0x3FFC];
	_ =	sdelay $0x3  }
0xc: {  	_ =	strace s3  }
0xd: {  	s3 =	sld [smem:$0x3FFD];
	_ =	sdelay $0x3  }
0xe: {  	_ =	strace s3  }
0xf: {  	_ =	strace $0x8FFFFFFF  }
0x10: {  	s20 =	sld [smem:$0x3FDB];
	_ =	sdelay $0x1  }
0x11: {  	s4 =	simm.s32 $_scs_section_size  }
0x12: {  	s5 =	simm.s32 $_size__tile_overlayer_lowered;
	s6 =	simm.s32 $_tile_overlayer_lowered  }
0x13: {  	s23 =	simm.s32 $0x1BFF;
	s22 =	sshll.u32 s6, $0x1;
	s3 =	sadd.s32 s4, s20  }
0x14: {  	s7 =	simm.s32 $0x0;
	s21 =	sshll.u32 s5, $0x1;
	s5 =	sadd.s32 s22, s3  }
0x15: {  	[timem:s7], [sflag:s23] =	dma.local [hbm:s5], s21  }
0x16: {  	_ =	swait.ge [sflag:s23], s21  }
0x17: {  	s4 =	ssub.s32 $0x0, s21;
	[sflag:s23] =	ssyncset.done $0x0  }
0x18: {  	[sflag:s23] =	ssyncadd.s32 s4;
	_ =	sdelay $0x1  }
0x19: {  	s24 =	simm.s32 $0x1B8B  }
0x1a: {  	_ =	swait.ge [sflag:s24], $0x1  }
0x1b: {  	[sflag:s24] =	ssyncset.done $0x0  }
0x1c: {  	s26 =	simm.s32 $0x1B8E;
	s25 =	sld [smem:$0x3FFE];
	[sflag:s24] =	ssyncadd.s32 $0xFFFFFFFF  }
0x1d: {  	s27 =	simm.s32 $execute0_lowered;
	[smem:$0x3FD2] =	sst s26  }
0x1e: {  	s5 =	sshll.u32 s27, $0x1;
	_ =	strace $0x80000049;
	[dreg:$0x1] =	wrdreg $0xFFFFFFFF  }
0x1f: {  	s28 =	simm.s32 $_size_execute0_lowered;
	s3 =	sadd.s32 s3, s5;
	[dreg:$0x0] =	wrdreg $0x0  }
0x20: {  	s5 =	sshll.u32 s28, $0x1;
	[dreg:$0x2] =	wrdreg s3  }
0x21: {  	[dreg:$0x3] =	wrdreg s5  }
0x22: {  	[dreg:$0x4] =	wrdreg $0xC0  }
0x23: {  	_ =	task [dreg:s7], $0x5FFFF  }
0x24: {  	[dreg:$0x1] =	wrdreg $0xFFFFFFFF  }
0x25: {  	[dreg:$0x0] =	wrdreg $0x60  }
0x26: {  	[dreg:$0x2] =	wrdreg s25  }
0x27: {  	[dreg:$0x3] =	wrdreg s2  }
0x28: {  	[dreg:$0x4] =	wrdreg $0x9  }
0x29: {  	_ =	task.clear_ibuf [dreg:s7], $0x5FFFF;
	_ =	strace $0x90000049  }
0x2a: {  	s29 =	simm.s32 $0x9;
	_ =	strace $0x8000004B  }
0x2b: {  	_ =	swait.ge [sflag:s29], $0x1  }
0x2c: {  	[sflag:s29] =	ssyncadd.s32 $0xFFFFFFFF  }
0x2d: {  	_ =	strace $0x9000004B  }
0x2e: {  	_ =	sfence  }
0x2f: {  	s30 =	sld [smem:$0x0];
	_ =	sdelay $0x2  }
0x30: {  	s31 =	sshll.u32 s1, $0xD;
	s1 =	sshrl.u32 s1, $0x2  }
0x31: {  	s3 =	sand.u32 $0x4000, s31;
	s1 =	sadd.s32 s1, s30  }
0x32: {  	s0 =	sor.u32 s3, s0;
	s1 =	sshll.u32 s1, $0x11  }
0x33: {  	s0 =	sor.u32 s1, s0  }
0x34: {  	s0 =	sadd.s32 $0x8F2B, s0  }
0x35: {  	[sflag:s0] =	ssyncadd.remote.s32 $0x1  }
0x36: {  	_ =	sfence.sel $0xFFFF  }
0x37: {  	[dreg:$0x0] =	wrdreg $0xFFFFFFFF;
	(pc) =	sbr.abs _section_cstart, $3  }
0x38: {  	[dreg:$0x1] =	wrdreg $0xFFFFFFFF  }
0x39: {  	_ =	task.clear_ibuf [dreg:s7], $0x2FFFF;
	_ =	strace $0x9FFFFFFF  }
0x3a: {  	(tm) =	ssettm $0x7FFFFFFF  }
0x3b: {  	_ =	shalt  }
tec
execute0_lowered:
.L_overlay_start_1:
0x0: {  	(tag) =	ssettag $0x1  }
0x1: {  	s0 =	srdreg.scid  }
0x2: {  	s1 =	sshll.u32 s0, $0x4  }
0x3: {  	s0 =	stileid.u32;
	s1 =	sand.u32 $0x10, s1  }
0x4: {  	s1 =	sor.u32 s0, s1  }
0x5: {  	s6 =	rddreg [dreg:$0x0];
	s4 =	simm.s32 $0x1;
	s2 =	sshll.u32 s1, $0x7  }
0x6: {  	s7 =	simm.s32 $0x2;
	s12 =	simm.s32 $0x0;
	s1 =	ssub.s32 $0x1000, s2  }
0x7: {  	s8 =	simm.s32 $0x8000;
	s13 =	simm.s32 $0x0;
	s3 =	sand.u32 $0xF80, s1  }
0x8: {  	s9 =	simm.s32 $0x0;
	s5 =	sshrl.u32 s1, $0xC;
	p0 =	sne.s32 s3, $0x0  }
.Ltmp0:
0x9: {  	s1 =	rddreg [dreg:$0x2];
	s4 =	simm.s32 @!p0 $0x0;
	(pc) =	sbr.rel .LBB1_1-.Ltmp0, $4  }
0xa: {  	s11 =	simm.s32 $0x0;
	s3 =	rddreg [dreg:$0x1];
	s5 =	sadd.s32 s4, s5  }
0xb: {  	_ =	strace $0x8000004A;
	s4 =	simm.s32 $0x1;
	s5 =	smul.u32 $0xC8, s5  }
0xc: {  	s6 =	sadd.s32 $0x1400, s6;
	s10 =	smov.u32 s2;
	[sflag:s4] =	ssyncpa.u1 $0x0  }
0xd: {  	p0 =	por $0x0, $0x0;
	[sflag:s7] =	ssyncpa.u1 $0x0;
	s7 =	sor.u32 $0x1, s5  }
.LBB1_4:
0xe: {  	s16 =	sshll.u32 s13, $0x3;
	s17 =	sand.u32 $0x78, s13  }
0xf: {  	s30 =	sand.u32 $0x7E00, s13;
	s12 =	sshll.u32 s12, $0xF;
	s16 =	sand.u32 $0xC00, s16  }
0x10: {  	[tilespmem:s15+$0x810 ss:$0x81] =	vst.msk $0xffff, v2;
	s31 =	sand.u32 $0x7, s13;
	s16 =	sor.u32 s17, s16;
	s17 =	sadd.s32 s3, s30  }
0x11: {  	[tilespmem:s15+$0x1020 ss:$0x81] =	vst.msk $0xffff, v0;
	s13 =	sshll.u32 s31, $0x12;
	s12 =	sadd.s32 s12, s17;
	s16 =	sshrl.u32 s16, $0x3  }
0x12: {  	[tilespmem:s15+$0x0 ss:$0x81] =	vst.msk $0xffff, v1;
	s13 =	sor.u32 $0x400, s13;
	s12 =	sadd.s32 s16, s12  }
0x13: {  	[hbm4b:s12+s13] =	stream.strided.scatter [tilespmem:s14], [sflag:$0x2], $0x2000, s8, s13, $0x20;
	[tilespmem:$0x8080] =	vst v63  }
.LBB1_5:
0x14: {  	s14 =	sadd.s32 $0x1, s9  }
0x15: {  	s12 =	sadd.s32 $0x1000, s10;
	s16 =	smov.u32 s10;
	p2 =	sgt.s32 s14, $0xC7  }
0x16: {  	s16 =	smov.u32 @p2 s12  }
0x17: {  	s14 =	simm.s32 @p2 $0x0;
	p2 =	sgt.s32 s16, $0xFFF  }
0x18: {  	s16 =	smov.u32 @p2 s2;
	p2 =	sne.s32 s11, s7  }
.Ltmp1:
0x19: {  	p1 =	slt.u32 s11, $0x2;
	(pc) =	sbr.rel @!p2 .LBB1_6-.Ltmp1, $4  }
0x1a: {  	s15 =	simm.s32 @!p1 $0x2  }
0x1b: {  	s13 =	smov.u32 s10;
	p0 =	por !p0, !p0;
	_ =	swait.ge @!p1 [sflag:s15], $0x2000  }
0x1c: {  	s12 =	smov.u32 s9;
	[sflag:s15] =	ssyncset.done @!p1 $0x0;
	s9 =	smov.u32 s14  }
0x1d: {  	s11 =	sadd.s32 $0x1, s11;
	[sflag:s15] =	ssyncadd.s32 @!p1 $0xFFFFE000;
	s10 =	smov.u32 s16  }
.LBB1_1:
0x1e: {  	p1 =	sge.u32 s11, s5  }
0x1f: {  	s14 =	sand.u32 @!p1 $0x1FFFFFF, s9  }
0x20: {  	s15 =	smulhi.u32 @!p1 $0x147AE15, s14;
	_ =	sdelay $0x1  }
0x21: {  	s15 =	smul.u32 @!p1 $0xC8, s15  }
0x22: {  	s16 =	sxor.u32 @!p1 $0xFFFFFFFF, s11;
	s17 =	smul.u32 @!p1 $0xC80, s10  }
0x23: {  	s31 =	sadd.s32 $0xFFFFFFFF, s11;
	s16 =	sshll.u32 @!p1 s16, $0xD;
	s14 =	ssub.s32 @!p1 s14, s15  }
0x24: {  	s15 =	sand.u32 @!p1 $0x2000, s16;
	s16 =	sadd.s32 @!p1 s6, s17;
	s14 =	sshll.u32 @!p1 s14, $0x4  }
0x25: {  	s17 =	simm.s32 @!p1 $0x6400;
	s14 =	sadd.s32 @!p1 s14, s16;
	s16 =	simm.s32 @!p1 $0x40  }
0x26: {  	[tilespmem:s15], [sflag:$0x1] =	stream.strided.gather @!p1 [hbm4b:s14+s16], $0x2000, s17, s16, $0x38;
	[tilespmem:$0x8080] =	vst v63  }
0x27: {  	p1 =	sge.u32 s31, s5  }
.Ltmp2:
0x28: {  	_ = 	snop;
	(pc) =	sbr.rel @p1 .LBB1_5-.Ltmp2, $1  }
0x29: {  	_ =	sdelay $0x3  }
0x2a: {  	s14 =	simm.s32 $0x1  }
0x2b: {  	_ =	swait.ge [sflag:s4], $0x2000;
	s14 =	simm.s32 @!p0 $0x0  }
0x2c: {  	[sflag:s4] =	ssyncset.done $0x0;
	s15 =	sshll.u32 s14, $0xD  }
0x2d: {  	[sflag:s4] =	ssyncadd.s32 $0xFFFFE000;
	s18 =	sor.u32 $0x20, s15  }
0x2e: {  	s14 =	smul.u32 $0x8100, s14;
	v3 =	vld [tilespmem:s18+$0x10]  }
0x2f: {  	s30 =	sand.u32 $0x1, s11;
	v2 =	vld [tilespmem:s18+$0xFFFFFFF0]  }
0x30: {  	s15 =	smul.u32 $0x8100, s30;
	s14 =	sshrl.u32 s14, $0x2;
	v0 =	vld [tilespmem:s18+$0x0]  }
0x31: {  	v1 =	vld [tilespmem:s18+$0xFFFFFFE0];
	s16 =	sor.u32 $0x4000, s14  }
0x32: {  	s31 =	sshrl.u32 s15, $0x2;
	s15 =	sadd.s32 $0x0, s16  }
0x33: {  	s17 =	simm.s32 $0x4;
	s18 =	sadd.s32 $0x40, s18;
	s14 =	sor.u32 $0x4000, s31;
	[tilespmem:s15+$0x1830 ss:$0x81] =	vst.msk $0xffff, v3  }
.LBB1_3:
0x34: {  	v3 =	vld [tilespmem:s18+$0x10];
	p1 =	sne.s32 s17, $0x1FC;
	[tilespmem:s15+$0x810 ss:$0x81] =	vst.msk $0xffff, v2;
	s19 =	smov.u32 s17;
	s17 =	sadd.s32 $0x4, s17  }
.Ltmp3:
0x35: {  	v2 =	vld [tilespmem:s18+$0xFFFFFFF0];
	[tilespmem:s15+$0x1020 ss:$0x81] =	vst.msk $0xffff, v0;
	(pc) =	sbr.rel @p1 .LBB1_3-.Ltmp3, $4  }
0x36: {  	v0 =	vld [tilespmem:s18+$0x0];
	[tilespmem:s15+$0x0 ss:$0x81] =	vst.msk $0xffff, v1  }
0x37: {  	s15 =	sshra.s32 s19, $0x2;
	v1 =	vld [tilespmem:s18+$0xFFFFFFE0]  }
0x38: {  	s15 =	sadd.s32 s15, s16  }
0x39: {  	s18 =	sadd.s32 $0x40, s18;
	[tilespmem:s15+$0x1830 ss:$0x81] =	vst.msk $0xffff, v3  }
.Ltmp4:
0x3a: {  	_ = 	snop;
	(pc) =	sbr.rel .LBB1_4-.Ltmp4, $1  }
0x3b: {  	_ =	sdelay $0x3  }
.LBB1_6:
0x3c: {  	_ =	sfence.sel $0x180000  }
0x3d: {  	s2 =	simm.s32 $0x1;
	[bflag:$0x0] =	sbarrier.arrive $0xFFFF  }
0x3e: {  	s31 =	simm.s32 $0x2;
	[sflag:s2] =	ssyncpa.u1 $0x1  }
0x3f: {  	[sflag:s31] =	ssyncpa.u1 $0x1  }
0x40: {  	p0 =	sne.s32 s0, $0x0;
	_ =	strace $0x9000004A  }
0x41: {  	s0 =	sadd.s32 @!p0 $0x100000, s1;
	[bflag:$0x2] =	sbarrier.arrive $0xFFFF  }
0x42: {  	[sflag:s0] =	ssyncadd.tile.s32 @!p0 $0x1;
	_ =	shalt  }
.Lfunc_end1:
_tile_overlayer_lowered:
.L_overlay_start_2:
0x43: {  	(tag) =	ssettag $0x2  }
0x44: {  	s0 =	rddreg [dreg:$0x0];
	s2 =	stileid.u32  }
0x45: {  	s1 =	rddreg [dreg:$0x1];
	p0 =	sne.s32 s2, $0x0  }
0x46: {  	s3 =	rddreg [dreg:$0x2];
	[bflag:$0x3] =	sbarrier.arrive $0xFFFF;
	s2 =	simm.s32 @!p0 $0x1C01  }
0x47: {  	[timem:s3], [sflag:s2] =	dma.local @!p0 [hbm:s0], s1  }
0x48: {  	s0 =	simm.s32 @!p0 $0x1  }
0x49: {  	_ =	swait.ge @!p0 [sflag:s0], s1  }
0x4a: {  	s1 =	ssub.s32 @!p0 $0x0, s1;
	[sflag:s0] =	ssyncset.done @!p0 $0x0  }
0x4b: {  	[sflag:s0] =	ssyncadd.s32 @!p0 s1  }
0x4c: {  	[bflag:$0x3] =	sbarrier.arrive $0xFFFF  }
0x4d: {  	_ =	shalt  }

</sc_bundles>
